<compile_context>
chip_gen: v7x
topology: tpu7x:2x2x1
jax: 0.10.2.dev20260603
libtpu: 0.0.44.dev20260713+nightly
codegen_flags: <defaults>
</compile_context>

<pallas_src>
import functools

import jax
import jax.numpy as jnp
from jax import lax
from jax.experimental import pallas as pl
from jax.experimental.pallas import tpu as pltpu
from jax.experimental.pallas import tpu_sc as plsc

_GRID_SIZE = 128
_MIDPOINT = 128
_B = 1048576
_NCELL = _GRID_SIZE ** 3
_NWORD = _NCELL // 4
_PACK_COLS = 131072

_NC = 2
_NS = 16
_NW = _NC * _NS
_CHUNK = 2048
_DEPTH = 3


def _spread_bits(x):
    x = x & jnp.uint32(0x3FF)
    x = (x | (x << 16)) & jnp.uint32(0x030000FF)
    x = (x | (x << 8)) & jnp.uint32(0x0300F00F)
    x = (x | (x << 4)) & jnp.uint32(0x030C30C3)
    x = (x | (x << 2)) & jnp.uint32(0x09249249)
    return x


def _pack_body(c0_ref, c1_ref, c2_ref, c3_ref, out_ref):
    def byte(ref):
        blk = ref[...]
        f = lax.broadcasted_iota(jnp.int32, blk.shape, 0)
        bits = jnp.where(blk > _MIDPOINT, jnp.int32(1) << f, jnp.int32(0))
        return jnp.sum(bits, axis=0, keepdims=True)

    word = (byte(c0_ref) | (byte(c1_ref) << 8) | (byte(c2_ref) << 16)
            | (byte(c3_ref) << 24))
    out_ref[...] = word[None]


def _pack_table(cache_t):
    grid = _NWORD // _PACK_COLS
    blocks_per_byte = _NWORD // _PACK_COLS

    def spec(k):
        return pl.BlockSpec((6, _PACK_COLS),
                            lambda j, k=k: (0, j + blocks_per_byte * k))

    return pl.pallas_call(
        _pack_body,
        grid=(grid,),
        in_specs=[spec(0), spec(1), spec(2), spec(3)],
        out_specs=pl.BlockSpec((1, 1, _PACK_COLS), lambda j: (j, 0, 0)),
        out_shape=jax.ShapeDtypeStruct((grid, 1, _PACK_COLS), jnp.int32),
    )(cache_t, cache_t, cache_t, cache_t)


def _index_body(o_ref, v_ref, cell_ref, mask_ref):
    vx = v_ref[0]
    vy = v_ref[1]
    vz = v_ref[2]
    denom = jnp.maximum(jnp.maximum(jnp.abs(vx), jnp.abs(vy)), jnp.abs(vz))
    a = vx / denom
    b = vy / denom
    c = vz / denom
    one = jnp.float32(1.0)
    conds = (a >= one, a <= -one, b >= one, b <= -one, c >= one, c <= -one)
    face = jnp.zeros(vx.shape, jnp.int32)
    for i, cond in enumerate(conds):
        face = jnp.where(cond, jnp.int32(i), face)

    def cell(p):
        q = jnp.clip((p / 2.0 + 0.5) * _GRID_SIZE, 0.0, float(_GRID_SIZE - 1))
        return _spread_bits(jnp.floor(q).astype(jnp.int32).astype(jnp.uint32))

    morton = (cell(o_ref[0]) | (cell(o_ref[1]) << 1)
              | (cell(o_ref[2]) << 2)).astype(jnp.int32)
    cell_ref[...] = morton & jnp.int32(_NWORD - 1)
    mask_ref[...] = jnp.int32(1) << (face + ((morton >> 19) << 3))


_IDX_ROWS = 512


def _compute_indices(o4, v4, half):
    rows = _B // 128 // 2
    steps = rows // _IDX_ROWS
    off = half * steps
    return pl.pallas_call(
        _index_body,
        grid=(steps,),
        in_specs=[
            pl.BlockSpec((3, _IDX_ROWS, 128), lambda i: (0, i + off, 0)),
            pl.BlockSpec((3, _IDX_ROWS, 128), lambda i: (0, i + off, 0)),
        ],
        out_specs=[
            pl.BlockSpec((_IDX_ROWS, 128), lambda i: (i, 0)),
            pl.BlockSpec((_IDX_ROWS, 128), lambda i: (i, 0)),
        ],
        out_shape=[
            jax.ShapeDtypeStruct((rows, 128), jnp.int32),
            jax.ShapeDtypeStruct((rows, 128), jnp.int32),
        ],
    )(o4, v4)


@functools.cache
def _make_gather(n):
    bpw = n // _NW
    nchunk = bpw // _CHUNK

    @functools.partial(
        pl.kernel,
        mesh=plsc.VectorSubcoreMesh(core_axis_name="c", subcore_axis_name="s"),
        out_type=jax.ShapeDtypeStruct((n,), jnp.int32),
        scratch_types=[
            pltpu.VMEM((bpw,), jnp.int32),
            pltpu.VMEM((bpw,), jnp.int32),
            pltpu.VMEM((bpw,), jnp.int32),
            pltpu.VMEM_SHARED((_NWORD,), jnp.int32),
            pltpu.SemaphoreType.DMA,
            pltpu.SemaphoreType.DMA,
            pltpu.SemaphoreType.DMA,
            pltpu.SemaphoreType.DMA,
            pltpu.SemaphoreType.DMA,
        ],
    )
    def _gather(cell_hbm, mask_hbm, table_hbm, out_hbm, idx_v, mask_v,
                words_v, table_s, sem0, sem1, sem2, msem, osem):
        sid = lax.axis_index("s")
        wid = sid * _NC + lax.axis_index("c")
        base = wid * bpw
        stage = _NWORD // _NS
        pltpu.sync_copy(table_hbm.at[pl.ds(sid * stage, stage)],
                        table_s.at[pl.ds(sid * stage, stage)])
        pltpu.sync_copy(cell_hbm.at[pl.ds(base, bpw)], idx_v)
        mask_cp = pltpu.async_copy(mask_hbm.at[pl.ds(base, bpw)], mask_v,
                                   msem)
        plsc.subcore_barrier()
        sems = (sem0, sem1, sem2)

        def fire(c):
            lo = c * _CHUNK
            return pltpu.async_copy(
                table_s.at[idx_v.at[pl.ds(lo, _CHUNK)]],
                words_v.at[pl.ds(lo, _CHUNK)],
                sems[c % _DEPTH],
            )

        def mask_chunk(c):
            def body(i, carry):
                sl = pl.ds(c * _CHUNK + i * 16, 16)
                words_v[sl] = words_v[sl] & mask_v[sl]
                return carry

            lax.fori_loop(0, _CHUNK // 16, body, 0)

        def store_chunk(c):
            lo = c * _CHUNK
            return pltpu.async_copy(
                words_v.at[pl.ds(lo, _CHUNK)],
                out_hbm.at[pl.ds(base + lo, _CHUNK)],
                osem,
            )

        out_cps = []
        ahead = _DEPTH - 1
        pend = [fire(c) for c in range(ahead)]
        mask_cp.wait()
        for c in range(nchunk):
            if c + ahead < nchunk:
                pend.append(fire(c + ahead))
            pend.pop(0).wait()
            mask_chunk(c)
            out_cps.append(store_chunk(c))
        for cp in out_cps:
            cp.wait()

    return _gather


def kernel(norm_ray_origins, viewdirs, cache):
    o4 = norm_ray_origins.T.reshape(3, _B // 128, 128)
    v4 = viewdirs.T.reshape(3, _B // 128, 128)
    half = _B // 2
    gather = _make_gather(half)
    table = _pack_table(cache.T).reshape(_NWORD)
    cell0, mask0 = _compute_indices(o4, v4, 0)
    vals0 = gather(cell0.reshape(half), mask0.reshape(half), table)
    cell1, mask1 = _compute_indices(o4, v4, 1)
    vals1 = gather(cell1.reshape(half), mask1.reshape(half), table)
    return jnp.concatenate(
        [vals0.astype(jnp.bool_), vals1.astype(jnp.bool_)])

# --- scband reference (transcript-rebuilt; emitter-appended) ---
"""Pipeline reference for scband-naive-vis-cache-31920196944290 (READ-ONLY COPY).

The authoritative reference and input builder live on the scoring server;
editing this copy changes nothing except your own understanding.
"""

import jax, jax.numpy as jnp
import numpy as np

GRID_SIZE = 128
MIDPOINT = 128
B = 1048576


def _part1by2(x):
    # spread bits of a 10-bit int so there are two zero bits between each bit
    x = x & jnp.uint32(0x3FF)
    x = (x | (x << 16)) & jnp.uint32(0x030000FF)
    x = (x | (x << 8)) & jnp.uint32(0x0300F00F)
    x = (x | (x << 4)) & jnp.uint32(0x030C30C3)
    x = (x | (x << 2)) & jnp.uint32(0x09249249)
    return x


def morton3D(coords):
    # coords: int [B,3] with values in [0, GRID_SIZE)
    c = coords.astype(jnp.uint32)
    xx = _part1by2(c[:, 0])
    yy = _part1by2(c[:, 1])
    zz = _part1by2(c[:, 2])
    return (xx | (yy << 1) | (zz << 2)).astype(jnp.int32)


def normalize_inf(v):
    denom = jnp.max(jnp.abs(v), axis=-1, keepdims=True)
    return v / denom


def rays2inds(norm_ray_origins, viewdirs):
    mul = 1.0
    sqdirs = mul * normalize_inf(viewdirs)
    a, b, c = sqdirs[:, 0], sqdirs[:, 1], sqdirs[:, 2]
    quadrants = [a >= mul, a <= -mul, b >= mul, b <= -mul, c >= mul, c <= -mul]
    face_index = jnp.zeros(norm_ray_origins.shape[0], dtype=jnp.int32)
    for i, cond in enumerate(quadrants):
        face_index = jnp.where(cond, jnp.int32(i), face_index)
    coords = jnp.clip((norm_ray_origins / 2.0 + 0.5) * GRID_SIZE, 0, GRID_SIZE - 1)
    indices = morton3D(coords.astype(jnp.int32))
    return indices, face_index


def setup_inputs(seed: int = 0) -> dict:
    key = jax.random.key(seed)
    k1, k2, k3 = jax.random.split(key, 3)
    norm_ray_origins = jax.random.uniform(k1, (B, 3), dtype=jnp.float32)
    viewdirs = jax.random.normal(k2, (B, 3), dtype=jnp.float32)
    cache = jax.random.randint(k3, (GRID_SIZE ** 3, 6), 0, 256, dtype=jnp.int32)
    return {"norm_ray_origins": norm_ray_origins, "viewdirs": viewdirs, "cache": cache}


def reference(norm_ray_origins, viewdirs, cache):
    indices, face_index = rays2inds(norm_ray_origins, viewdirs)
    vals = cache[indices, face_index]
    return vals > MIDPOINT

if __name__ == "__main__":
    import jax
    _d = setup_inputs()
    print(jax.jit(kernel)(*tuple(_d.values())))

</pallas_src>

<mosaic_0001>
#map = affine_map<(d0, d1) -> (0)>
module attributes {stable_mosaic.version = 14 : i64} {
  func.func @_gather(%arg0: i32, %arg1: i32, %arg2: memref<524288xi32, #tpu.memory_space<hbm>>, %arg3: memref<524288xi32, #tpu.memory_space<hbm>>, %arg4: memref<524288xi32, #tpu.memory_space<hbm>>, %arg5: memref<524288xi32, #tpu.memory_space<hbm>>, %arg6: memref<16384xi32, #tpu.memory_space<vmem>>, %arg7: memref<16384xi32, #tpu.memory_space<vmem>>, %arg8: memref<16384xi32, #tpu.memory_space<vmem>>, %arg9: memref<524288xi32, #tpu.memory_space<vmem_shared>>, %arg10: memref<!tpu.dma_semaphore, #tpu.memory_space<semaphore_mem>>, %arg11: memref<!tpu.dma_semaphore, #tpu.memory_space<semaphore_mem>>, %arg12: memref<!tpu.dma_semaphore, #tpu.memory_space<semaphore_mem>>, %arg13: memref<!tpu.dma_semaphore, #tpu.memory_space<semaphore_mem>>, %arg14: memref<!tpu.dma_semaphore, #tpu.memory_space<semaphore_mem>>) attributes {dimension_semantics = [#tpu.dimension_semantics<core_parallel>, #tpu.dimension_semantics<subcore_parallel>], iteration_bounds = array<i64: 2, 16>, scalar_prefetch = 0 : i64, scratch_operands = 9 : i64, tpu.core_type = #tpu.core_type<sc_vector_subcore>, window_params = [{transform_indices = #map}, {transform_indices = #map}, {transform_indices = #map}, {transform_indices = #map}]} {
    %mul3A = arith.constant 2 : i32
    %mul3A_0 = arith.muli %arg1, %mul3A : i32
    %add3A = arith.addi %mul3A_0, %arg0 : i32
    %mul3A_1 = arith.constant 16384 : i32
    %mul3A_2 = arith.muli %add3A, %mul3A_1 : i32
    %mul3A_3 = arith.constant 32768 : i32
    %mul3A_4 = arith.muli %arg1, %mul3A_3 : i32
    %mul3A_5 = arith.constant 32768 : i32
    %mul3A_6 = arith.muli %arg1, %mul3A_5 : i32
    "tpu.region"() ({
      %run_scoped3A = tpu.sem_alloc : memref<!tpu.dma_semaphore, #tpu.memory_space<semaphore_mem>>
      %dma_start3A_264 = tpu.memref_slice %arg9[%mul3A_6] : memref<524288xi32, #tpu.memory_space<vmem_shared>> -> memref<32768xi32, #tpu.memory_space<vmem_shared>>
      %dma_start3A_265 = tpu.memref_slice %arg4[%mul3A_4] : memref<524288xi32, #tpu.memory_space<hbm>> -> memref<32768xi32, #tpu.memory_space<hbm>>
      tpu.enqueue_dma source(%dma_start3A_265 : memref<32768xi32, #tpu.memory_space<hbm>>) target(%dma_start3A_264 : memref<32768xi32, #tpu.memory_space<vmem_shared>>) target_semaphore(%run_scoped3A : memref<!tpu.dma_semaphore, #tpu.memory_space<semaphore_mem>>)
      %dma_wait3A_266 = tpu.memref_slice %arg9[%mul3A_6] : memref<524288xi32, #tpu.memory_space<vmem_shared>> -> memref<32768xi32, #tpu.memory_space<vmem_shared>>
      %dma_wait3A_267 = tpu.memref_slice %arg4[%mul3A_4] : memref<524288xi32, #tpu.memory_space<hbm>> -> memref<32768xi32, #tpu.memory_space<hbm>>
      tpu.wait_dma2 semaphore(%run_scoped3A : memref<!tpu.dma_semaphore, #tpu.memory_space<semaphore_mem>>) src(%dma_wait3A_267 : memref<32768xi32, #tpu.memory_space<hbm>>) dst(%dma_wait3A_266 : memref<32768xi32, #tpu.memory_space<vmem_shared>>)
      tpu.yield
    }) : () -> ()
    "tpu.region"() ({
      %run_scoped3A = tpu.sem_alloc : memref<!tpu.dma_semaphore, #tpu.memory_space<semaphore_mem>>
      %dma_start3A_264 = tpu.memref_slice %arg2[%mul3A_2] : memref<524288xi32, #tpu.memory_space<hbm>> -> memref<16384xi32, #tpu.memory_space<hbm>>
      %dma_start3A_265 = tpu.memref_slice %arg2[%mul3A_2] : memref<524288xi32, #tpu.memory_space<hbm>> -> memref<16384xi32, #tpu.memory_space<hbm>>
      tpu.enqueue_dma source(%dma_start3A_265 : memref<16384xi32, #tpu.memory_space<hbm>>) target(%arg6 : memref<16384xi32, #tpu.memory_space<vmem>>) target_semaphore(%run_scoped3A : memref<!tpu.dma_semaphore, #tpu.memory_space<semaphore_mem>>)
      %dma_wait3A_266 = tpu.memref_slice %arg2[%mul3A_2] : memref<524288xi32, #tpu.memory_space<hbm>> -> memref<16384xi32, #tpu.memory_space<hbm>>
      %dma_wait3A_267 = tpu.memref_slice %arg2[%mul3A_2] : memref<524288xi32, #tpu.memory_space<hbm>> -> memref<16384xi32, #tpu.memory_space<hbm>>
      tpu.wait_dma2 semaphore(%run_scoped3A : memref<!tpu.dma_semaphore, #tpu.memory_space<semaphore_mem>>) src(%dma_wait3A_267 : memref<16384xi32, #tpu.memory_space<hbm>>) dst(%arg6 : memref<16384xi32, #tpu.memory_space<vmem>>)
      tpu.yield
    }) : () -> ()
    %dma_start3A = tpu.memref_slice %arg3[%mul3A_2] : memref<524288xi32, #tpu.memory_space<hbm>> -> memref<16384xi32, #tpu.memory_space<hbm>>
    %dma_start3A_7 = tpu.memref_slice %arg3[%mul3A_2] : memref<524288xi32, #tpu.memory_space<hbm>> -> memref<16384xi32, #tpu.memory_space<hbm>>
    tpu.enqueue_dma source(%dma_start3A_7 : memref<16384xi32, #tpu.memory_space<hbm>>) target(%arg7 : memref<16384xi32, #tpu.memory_space<vmem>>) target_semaphore(%arg13 : memref<!tpu.dma_semaphore, #tpu.memory_space<semaphore_mem>>)
    %barrier3A = arith.constant 0 : index
    tpu.barrier barrier_id(%barrier3A)
    %dma_start3A_8 = arith.constant 0 : i32
    %dma_start3A_9 = tpu.memref_slice %arg8[%dma_start3A_8] : memref<16384xi32, #tpu.memory_space<vmem>> -> memref<2048xi32, #tpu.memory_space<vmem>>
    %dma_start3A_10 = arith.constant 0 : i32
    %dma_start3A_11 = tpu.memref_slice %arg6[%dma_start3A_10] : memref<16384xi32, #tpu.memory_space<vmem>> -> memref<2048xi32, #tpu.memory_space<vmem>>
    %dma_start3A_12 = arith.constant 0 : i32
    %dma_start3A_13 = tpu.memref_slice %arg9[%dma_start3A_12] : memref<524288xi32, #tpu.memory_space<vmem_shared>> -> memref<524288xi32, #tpu.memory_space<vmem_shared>>
    tpu.enqueue_indirect_dma source(%dma_start3A_13 : memref<524288xi32, #tpu.memory_space<vmem_shared>>) target(%dma_start3A_9 : memref<2048xi32, #tpu.memory_space<vmem>>) offsets(%dma_start3A_11 : memref<2048xi32, #tpu.memory_space<vmem>>) semaphore(%arg10 : memref<!tpu.dma_semaphore, #tpu.memory_space<semaphore_mem>>)
    %dma_start3A_14 = arith.constant 2048 : i32
    %dma_start3A_15 = tpu.memref_slice %arg8[%dma_start3A_14] : memref<16384xi32, #tpu.memory_space<vmem>> -> memref<2048xi32, #tpu.memory_space<vmem>>
    %dma_start3A_16 = arith.constant 2048 : i32
    %dma_start3A_17 = tpu.memref_slice %arg6[%dma_start3A_16] : memref<16384xi32, #tpu.memory_space<vmem>> -> memref<2048xi32, #tpu.memory_space<vmem>>
    %dma_start3A_18 = arith.constant 0 : i32
    %dma_start3A_19 = tpu.memref_slice %arg9[%dma_start3A_18] : memref<524288xi32, #tpu.memory_space<vmem_shared>> -> memref<524288xi32, #tpu.memory_space<vmem_shared>>
    tpu.enqueue_indirect_dma source(%dma_start3A_19 : memref<524288xi32, #tpu.memory_space<vmem_shared>>) target(%dma_start3A_15 : memref<2048xi32, #tpu.memory_space<vmem>>) offsets(%dma_start3A_17 : memref<2048xi32, #tpu.memory_space<vmem>>) semaphore(%arg11 : memref<!tpu.dma_semaphore, #tpu.memory_space<semaphore_mem>>)
    %dma_wait3A = tpu.memref_slice %arg3[%mul3A_2] : memref<524288xi32, #tpu.memory_space<hbm>> -> memref<16384xi32, #tpu.memory_space<hbm>>
    %dma_wait3A_20 = tpu.memref_slice %arg3[%mul3A_2] : memref<524288xi32, #tpu.memory_space<hbm>> -> memref<16384xi32, #tpu.memory_space<hbm>>
    tpu.wait_dma2 semaphore(%arg13 : memref<!tpu.dma_semaphore, #tpu.memory_space<semaphore_mem>>) src(%dma_wait3A_20 : memref<16384xi32, #tpu.memory_space<hbm>>) dst(%arg7 : memref<16384xi32, #tpu.memory_space<vmem>>)
    %dma_start3A_21 = arith.constant 4096 : i32
    %dma_start3A_22 = tpu.memref_slice %arg8[%dma_start3A_21] : memref<16384xi32, #tpu.memory_space<vmem>> -> memref<2048xi32, #tpu.memory_space<vmem>>
    %dma_start3A_23 = arith.constant 4096 : i32
    %dma_start3A_24 = tpu.memref_slice %arg6[%dma_start3A_23] : memref<16384xi32, #tpu.memory_space<vmem>> -> memref<2048xi32, #tpu.memory_space<vmem>>
    %dma_start3A_25 = arith.constant 0 : i32
    %dma_start3A_26 = tpu.memref_slice %arg9[%dma_start3A_25] : memref<524288xi32, #tpu.memory_space<vmem_shared>> -> memref<524288xi32, #tpu.memory_space<vmem_shared>>
    tpu.enqueue_indirect_dma source(%dma_start3A_26 : memref<524288xi32, #tpu.memory_space<vmem_shared>>) target(%dma_start3A_22 : memref<2048xi32, #tpu.memory_space<vmem>>) offsets(%dma_start3A_24 : memref<2048xi32, #tpu.memory_space<vmem>>) semaphore(%arg12 : memref<!tpu.dma_semaphore, #tpu.memory_space<semaphore_mem>>)
    %dma_wait3A_27 = arith.constant 0 : i32
    %dma_wait3A_28 = tpu.memref_slice %arg8[%dma_wait3A_27] : memref<16384xi32, #tpu.memory_space<vmem>> -> memref<2048xi32, #tpu.memory_space<vmem>>
    %dma_wait3A_29 = arith.constant 0 : i32
    %dma_wait3A_30 = tpu.memref_slice %arg6[%dma_wait3A_29] : memref<16384xi32, #tpu.memory_space<vmem>> -> memref<2048xi32, #tpu.memory_space<vmem>>
    %dma_wait3A_31 = arith.constant 0 : i32
    %dma_wait3A_32 = tpu.memref_slice %arg9[%dma_wait3A_31] : memref<524288xi32, #tpu.memory_space<vmem_shared>> -> memref<524288xi32, #tpu.memory_space<vmem_shared>>
    tpu.wait_indirect_dma semaphore(%arg10 : memref<!tpu.dma_semaphore, #tpu.memory_space<semaphore_mem>>) src(%dma_wait3A_32 : memref<524288xi32, #tpu.memory_space<vmem_shared>>) dst(%dma_wait3A_28 : memref<2048xi32, #tpu.memory_space<vmem>>)
    %scan3A = arith.constant 0 : i32
    %scan3A_33 = arith.constant 0 : i32
    %scan3A_34 = arith.constant 128 : i32
    %scan3A_35 = arith.addi %scan3A_33, %scan3A_34 : i32
    %scan3A_36 = arith.constant 1 : i32
    scf.for %scan3A_264 = %scan3A_33 to %scan3A_35 step %scan3A_36  : i32 {
      %mul3A_265 = arith.constant 16 : i32
      %mul3A_266 = arith.muli %scan3A_264, %mul3A_265 : i32
      %add3A_267 = arith.constant 0 : i32
      %add3A_268 = arith.addi %add3A_267, %mul3A_266 : i32
      %get3A = arith.index_cast %add3A_268 : i32 to index
      %get3A_269 = tpu.vector_load %arg8[%get3A] {strides = array<i32>} : memref<16384xi32, #tpu.memory_space<vmem>>, vector<16xi32>,
      %get3A_270 = vector.shape_cast %get3A_269 : vector<16xi32> to vector<16xi32>
      %get3A_271 = arith.index_cast %add3A_268 : i32 to index
      %get3A_272 = tpu.vector_load %arg7[%get3A_271] {strides = array<i32>} : memref<16384xi32, #tpu.memory_space<vmem>>, vector<16xi32>,
      %get3A_273 = vector.shape_cast %get3A_272 : vector<16xi32> to vector<16xi32>
      %and3A = arith.andi %get3A_270, %get3A_273 : vector<16xi32>
      %swap3A = arith.index_cast %add3A_268 : i32 to index
      %swap3A_274 = tpu.vector_load %arg8[%swap3A] {strides = array<i32>} : memref<16384xi32, #tpu.memory_space<vmem>>, vector<16xi32>,
      %swap3A_275 = vector.shape_cast %swap3A_274 : vector<16xi32> to vector<16xi32>
      %swap3A_276 = vector.shape_cast %and3A : vector<16xi32> to vector<16xi32>
      tpu.vector_store %arg8[%swap3A], %swap3A_276 {strides = array<i32>} : memref<16384xi32, #tpu.memory_space<vmem>>, vector<16xi32>,
    }
    %scan3A_37 = arith.constant 128 : i32
    %add3A_38 = arith.constant 0 : i32
    %add3A_39 = arith.addi %mul3A_2, %add3A_38 : i32
    %dma_start3A_40 = arith.constant 0 : i32
    %dma_start3A_41 = tpu.memref_slice %arg8[%dma_start3A_40] : memref<16384xi32, #tpu.memory_space<vmem>> -> memref<2048xi32, #tpu.memory_space<vmem>>
    %dma_start3A_42 = tpu.memref_slice %arg5[%add3A_39] : memref<524288xi32, #tpu.memory_space<hbm>> -> memref<2048xi32, #tpu.memory_space<hbm>>
    %dma_start3A_43 = tpu.memref_slice %arg5[%add3A_39] : memref<524288xi32, #tpu.memory_space<hbm>> -> memref<2048xi32, #tpu.memory_space<hbm>>
    %dma_start3A_44 = arith.constant 0 : i32
    %dma_start3A_45 = tpu.memref_slice %arg8[%dma_start3A_44] : memref<16384xi32, #tpu.memory_space<vmem>> -> memref<2048xi32, #tpu.memory_space<vmem>>
    tpu.enqueue_dma source(%dma_start3A_45 : memref<2048xi32, #tpu.memory_space<vmem>>) target(%dma_start3A_43 : memref<2048xi32, #tpu.memory_space<hbm>>) target_semaphore(%arg14 : memref<!tpu.dma_semaphore, #tpu.memory_space<semaphore_mem>>)
    %dma_start3A_46 = arith.constant 6144 : i32
    %dma_start3A_47 = tpu.memref_slice %arg8[%dma_start3A_46] : memref<16384xi32, #tpu.memory_space<vmem>> -> memref<2048xi32, #tpu.memory_space<vmem>>
    %dma_start3A_48 = arith.constant 6144 : i32
    %dma_start3A_49 = tpu.memref_slice %arg6[%dma_start3A_48] : memref<16384xi32, #tpu.memory_space<vmem>> -> memref<2048xi32, #tpu.memory_space<vmem>>
    %dma_start3A_50 = arith.constant 0 : i32
    %dma_start3A_51 = tpu.memref_slice %arg9[%dma_start3A_50] : memref<524288xi32, #tpu.memory_space<vmem_shared>> -> memref<524288xi32, #tpu.memory_space<vmem_shared>>
    tpu.enqueue_indirect_dma source(%dma_start3A_51 : memref<524288xi32, #tpu.memory_space<vmem_shared>>) target(%dma_start3A_47 : memref<2048xi32, #tpu.memory_space<vmem>>) offsets(%dma_start3A_49 : memref<2048xi32, #tpu.memory_space<vmem>>) semaphore(%arg10 : memref<!tpu.dma_semaphore, #tpu.memory_space<semaphore_mem>>)
    %dma_wait3A_52 = arith.constant 2048 : i32
    %dma_wait3A_53 = tpu.memref_slice %arg8[%dma_wait3A_52] : memref<16384xi32, #tpu.memory_space<vmem>> -> memref<2048xi32, #tpu.memory_space<vmem>>
    %dma_wait3A_54 = arith.constant 2048 : i32
    %dma_wait3A_55 = tpu.memref_slice %arg6[%dma_wait3A_54] : memref<16384xi32, #tpu.memory_space<vmem>> -> memref<2048xi32, #tpu.memory_space<vmem>>
    %dma_wait3A_56 = arith.constant 0 : i32
    %dma_wait3A_57 = tpu.memref_slice %arg9[%dma_wait3A_56] : memref<524288xi32, #tpu.memory_space<vmem_shared>> -> memref<524288xi32, #tpu.memory_space<vmem_shared>>
    tpu.wait_indirect_dma semaphore(%arg11 : memref<!tpu.dma_semaphore, #tpu.memory_space<semaphore_mem>>) src(%dma_wait3A_57 : memref<524288xi32, #tpu.memory_space<vmem_shared>>) dst(%dma_wait3A_53 : memref<2048xi32, #tpu.memory_space<vmem>>)
    %scan3A_58 = arith.constant 0 : i32
    %scan3A_59 = arith.constant 0 : i32
    %scan3A_60 = arith.constant 128 : i32
    %scan3A_61 = arith.addi %scan3A_59, %scan3A_60 : i32
    %scan3A_62 = arith.constant 1 : i32
    scf.for %scan3A_264 = %scan3A_59 to %scan3A_61 step %scan3A_62  : i32 {
      %mul3A_265 = arith.constant 16 : i32
      %mul3A_266 = arith.muli %scan3A_264, %mul3A_265 : i32
      %add3A_267 = arith.constant 2048 : i32
      %add3A_268 = arith.addi %add3A_267, %mul3A_266 : i32
      %get3A = arith.index_cast %add3A_268 : i32 to index
      %get3A_269 = tpu.vector_load %arg8[%get3A] {strides = array<i32>} : memref<16384xi32, #tpu.memory_space<vmem>>, vector<16xi32>,
      %get3A_270 = vector.shape_cast %get3A_269 : vector<16xi32> to vector<16xi32>
      %get3A_271 = arith.index_cast %add3A_268 : i32 to index
      %get3A_272 = tpu.vector_load %arg7[%get3A_271] {strides = array<i32>} : memref<16384xi32, #tpu.memory_space<vmem>>, vector<16xi32>,
      %get3A_273 = vector.shape_cast %get3A_272 : vector<16xi32> to vector<16xi32>
      %and3A = arith.andi %get3A_270, %get3A_273 : vector<16xi32>
      %swap3A = arith.index_cast %add3A_268 : i32 to index
      %swap3A_274 = tpu.vector_load %arg8[%swap3A] {strides = array<i32>} : memref<16384xi32, #tpu.memory_space<vmem>>, vector<16xi32>,
      %swap3A_275 = vector.shape_cast %swap3A_274 : vector<16xi32> to vector<16xi32>
      %swap3A_276 = vector.shape_cast %and3A : vector<16xi32> to vector<16xi32>
      tpu.vector_store %arg8[%swap3A], %swap3A_276 {strides = array<i32>} : memref<16384xi32, #tpu.memory_space<vmem>>, vector<16xi32>,
    }
    %scan3A_63 = arith.constant 128 : i32
    %add3A_64 = arith.constant 2048 : i32
    %add3A_65 = arith.addi %mul3A_2, %add3A_64 : i32
    %dma_start3A_66 = arith.constant 2048 : i32
    %dma_start3A_67 = tpu.memref_slice %arg8[%dma_start3A_66] : memref<16384xi32, #tpu.memory_space<vmem>> -> memref<2048xi32, #tpu.memory_space<vmem>>
    %dma_start3A_68 = tpu.memref_slice %arg5[%add3A_65] : memref<524288xi32, #tpu.memory_space<hbm>> -> memref<2048xi32, #tpu.memory_space<hbm>>
    %dma_start3A_69 = tpu.memref_slice %arg5[%add3A_65] : memref<524288xi32, #tpu.memory_space<hbm>> -> memref<2048xi32, #tpu.memory_space<hbm>>
    %dma_start3A_70 = arith.constant 2048 : i32
    %dma_start3A_71 = tpu.memref_slice %arg8[%dma_start3A_70] : memref<16384xi32, #tpu.memory_space<vmem>> -> memref<2048xi32, #tpu.memory_space<vmem>>
    tpu.enqueue_dma source(%dma_start3A_71 : memref<2048xi32, #tpu.memory_space<vmem>>) target(%dma_start3A_69 : memref<2048xi32, #tpu.memory_space<hbm>>) target_semaphore(%arg14 : memref<!tpu.dma_semaphore, #tpu.memory_space<semaphore_mem>>)
    %dma_start3A_72 = arith.constant 8192 : i32
    %dma_start3A_73 = tpu.memref_slice %arg8[%dma_start3A_72] : memref<16384xi32, #tpu.memory_space<vmem>> -> memref<2048xi32, #tpu.memory_space<vmem>>
    %dma_start3A_74 = arith.constant 8192 : i32
    %dma_start3A_75 = tpu.memref_slice %arg6[%dma_start3A_74] : memref<16384xi32, #tpu.memory_space<vmem>> -> memref<2048xi32, #tpu.memory_space<vmem>>
    %dma_start3A_76 = arith.constant 0 : i32
    %dma_start3A_77 = tpu.memref_slice %arg9[%dma_start3A_76] : memref<524288xi32, #tpu.memory_space<vmem_shared>> -> memref<524288xi32, #tpu.memory_space<vmem_shared>>
    tpu.enqueue_indirect_dma source(%dma_start3A_77 : memref<524288xi32, #tpu.memory_space<vmem_shared>>) target(%dma_start3A_73 : memref<2048xi32, #tpu.memory_space<vmem>>) offsets(%dma_start3A_75 : memref<2048xi32, #tpu.memory_space<vmem>>) semaphore(%arg11 : memref<!tpu.dma_semaphore, #tpu.memory_space<semaphore_mem>>)
    %dma_wait3A_78 = arith.constant 4096 : i32
    %dma_wait3A_79 = tpu.memref_slice %arg8[%dma_wait3A_78] : memref<16384xi32, #tpu.memory_space<vmem>> -> memref<2048xi32, #tpu.memory_space<vmem>>
    %dma_wait3A_80 = arith.constant 4096 : i32
    %dma_wait3A_81 = tpu.memref_slice %arg6[%dma_wait3A_80] : memref<16384xi32, #tpu.memory_space<vmem>> -> memref<2048xi32, #tpu.memory_space<vmem>>
    %dma_wait3A_82 = arith.constant 0 : i32
    %dma_wait3A_83 = tpu.memref_slice %arg9[%dma_wait3A_82] : memref<524288xi32, #tpu.memory_space<vmem_shared>> -> memref<524288xi32, #tpu.memory_space<vmem_shared>>
    tpu.wait_indirect_dma semaphore(%arg12 : memref<!tpu.dma_semaphore, #tpu.memory_space<semaphore_mem>>) src(%dma_wait3A_83 : memref<524288xi32, #tpu.memory_space<vmem_shared>>) dst(%dma_wait3A_79 : memref<2048xi32, #tpu.memory_space<vmem>>)
    %scan3A_84 = arith.constant 0 : i32
    %scan3A_85 = arith.constant 0 : i32
    %scan3A_86 = arith.constant 128 : i32
    %scan3A_87 = arith.addi %scan3A_85, %scan3A_86 : i32
    %scan3A_88 = arith.constant 1 : i32
    scf.for %scan3A_264 = %scan3A_85 to %scan3A_87 step %scan3A_88  : i32 {
      %mul3A_265 = arith.constant 16 : i32
      %mul3A_266 = arith.muli %scan3A_264, %mul3A_265 : i32
      %add3A_267 = arith.constant 4096 : i32
      %add3A_268 = arith.addi %add3A_267, %mul3A_266 : i32
      %get3A = arith.index_cast %add3A_268 : i32 to index
      %get3A_269 = tpu.vector_load %arg8[%get3A] {strides = array<i32>} : memref<16384xi32, #tpu.memory_space<vmem>>, vector<16xi32>,
      %get3A_270 = vector.shape_cast %get3A_269 : vector<16xi32> to vector<16xi32>
      %get3A_271 = arith.index_cast %add3A_268 : i32 to index
      %get3A_272 = tpu.vector_load %arg7[%get3A_271] {strides = array<i32>} : memref<16384xi32, #tpu.memory_space<vmem>>, vector<16xi32>,
      %get3A_273 = vector.shape_cast %get3A_272 : vector<16xi32> to vector<16xi32>
      %and3A = arith.andi %get3A_270, %get3A_273 : vector<16xi32>
      %swap3A = arith.index_cast %add3A_268 : i32 to index
      %swap3A_274 = tpu.vector_load %arg8[%swap3A] {strides = array<i32>} : memref<16384xi32, #tpu.memory_space<vmem>>, vector<16xi32>,
      %swap3A_275 = vector.shape_cast %swap3A_274 : vector<16xi32> to vector<16xi32>
      %swap3A_276 = vector.shape_cast %and3A : vector<16xi32> to vector<16xi32>
      tpu.vector_store %arg8[%swap3A], %swap3A_276 {strides = array<i32>} : memref<16384xi32, #tpu.memory_space<vmem>>, vector<16xi32>,
    }
    %scan3A_89 = arith.constant 128 : i32
    %add3A_90 = arith.constant 4096 : i32
    %add3A_91 = arith.addi %mul3A_2, %add3A_90 : i32
    %dma_start3A_92 = arith.constant 4096 : i32
    %dma_start3A_93 = tpu.memref_slice %arg8[%dma_start3A_92] : memref<16384xi32, #tpu.memory_space<vmem>> -> memref<2048xi32, #tpu.memory_space<vmem>>
    %dma_start3A_94 = tpu.memref_slice %arg5[%add3A_91] : memref<524288xi32, #tpu.memory_space<hbm>> -> memref<2048xi32, #tpu.memory_space<hbm>>
    %dma_start3A_95 = tpu.memref_slice %arg5[%add3A_91] : memref<524288xi32, #tpu.memory_space<hbm>> -> memref<2048xi32, #tpu.memory_space<hbm>>
    %dma_start3A_96 = arith.constant 4096 : i32
    %dma_start3A_97 = tpu.memref_slice %arg8[%dma_start3A_96] : memref<16384xi32, #tpu.memory_space<vmem>> -> memref<2048xi32, #tpu.memory_space<vmem>>
    tpu.enqueue_dma source(%dma_start3A_97 : memref<2048xi32, #tpu.memory_space<vmem>>) target(%dma_start3A_95 : memref<2048xi32, #tpu.memory_space<hbm>>) target_semaphore(%arg14 : memref<!tpu.dma_semaphore, #tpu.memory_space<semaphore_mem>>)
    %dma_start3A_98 = arith.constant 10240 : i32
    %dma_start3A_99 = tpu.memref_slice %arg8[%dma_start3A_98] : memref<16384xi32, #tpu.memory_space<vmem>> -> memref<2048xi32, #tpu.memory_space<vmem>>
    %dma_start3A_100 = arith.constant 10240 : i32
    %dma_start3A_101 = tpu.memref_slice %arg6[%dma_start3A_100] : memref<16384xi32, #tpu.memory_space<vmem>> -> memref<2048xi32, #tpu.memory_space<vmem>>
    %dma_start3A_102 = arith.constant 0 : i32
    %dma_start3A_103 = tpu.memref_slice %arg9[%dma_start3A_102] : memref<524288xi32, #tpu.memory_space<vmem_shared>> -> memref<524288xi32, #tpu.memory_space<vmem_shared>>
    tpu.enqueue_indirect_dma source(%dma_start3A_103 : memref<524288xi32, #tpu.memory_space<vmem_shared>>) target(%dma_start3A_99 : memref<2048xi32, #tpu.memory_space<vmem>>) offsets(%dma_start3A_101 : memref<2048xi32, #tpu.memory_space<vmem>>) semaphore(%arg12 : memref<!tpu.dma_semaphore, #tpu.memory_space<semaphore_mem>>)
    %dma_wait3A_104 = arith.constant 6144 : i32
    %dma_wait3A_105 = tpu.memref_slice %arg8[%dma_wait3A_104] : memref<16384xi32, #tpu.memory_space<vmem>> -> memref<2048xi32, #tpu.memory_space<vmem>>
    %dma_wait3A_106 = arith.constant 6144 : i32
    %dma_wait3A_107 = tpu.memref_slice %arg6[%dma_wait3A_106] : memref<16384xi32, #tpu.memory_space<vmem>> -> memref<2048xi32, #tpu.memory_space<vmem>>
    %dma_wait3A_108 = arith.constant 0 : i32
    %dma_wait3A_109 = tpu.memref_slice %arg9[%dma_wait3A_108] : memref<524288xi32, #tpu.memory_space<vmem_shared>> -> memref<524288xi32, #tpu.memory_space<vmem_shared>>
    tpu.wait_indirect_dma semaphore(%arg10 : memref<!tpu.dma_semaphore, #tpu.memory_space<semaphore_mem>>) src(%dma_wait3A_109 : memref<524288xi32, #tpu.memory_space<vmem_shared>>) dst(%dma_wait3A_105 : memref<2048xi32, #tpu.memory_space<vmem>>)
    %scan3A_110 = arith.constant 0 : i32
    %scan3A_111 = arith.constant 0 : i32
    %scan3A_112 = arith.constant 128 : i32
    %scan3A_113 = arith.addi %scan3A_111, %scan3A_112 : i32
    %scan3A_114 = arith.constant 1 : i32
    scf.for %scan3A_264 = %scan3A_111 to %scan3A_113 step %scan3A_114  : i32 {
      %mul3A_265 = arith.constant 16 : i32
      %mul3A_266 = arith.muli %scan3A_264, %mul3A_265 : i32
      %add3A_267 = arith.constant 6144 : i32
      %add3A_268 = arith.addi %add3A_267, %mul3A_266 : i32
      %get3A = arith.index_cast %add3A_268 : i32 to index
      %get3A_269 = tpu.vector_load %arg8[%get3A] {strides = array<i32>} : memref<16384xi32, #tpu.memory_space<vmem>>, vector<16xi32>,
      %get3A_270 = vector.shape_cast %get3A_269 : vector<16xi32> to vector<16xi32>
      %get3A_271 = arith.index_cast %add3A_268 : i32 to index
      %get3A_272 = tpu.vector_load %arg7[%get3A_271] {strides = array<i32>} : memref<16384xi32, #tpu.memory_space<vmem>>, vector<16xi32>,
      %get3A_273 = vector.shape_cast %get3A_272 : vector<16xi32> to vector<16xi32>
      %and3A = arith.andi %get3A_270, %get3A_273 : vector<16xi32>
      %swap3A = arith.index_cast %add3A_268 : i32 to index
      %swap3A_274 = tpu.vector_load %arg8[%swap3A] {strides = array<i32>} : memref<16384xi32, #tpu.memory_space<vmem>>, vector<16xi32>,
      %swap3A_275 = vector.shape_cast %swap3A_274 : vector<16xi32> to vector<16xi32>
      %swap3A_276 = vector.shape_cast %and3A : vector<16xi32> to vector<16xi32>
      tpu.vector_store %arg8[%swap3A], %swap3A_276 {strides = array<i32>} : memref<16384xi32, #tpu.memory_space<vmem>>, vector<16xi32>,
    }
    %scan3A_115 = arith.constant 128 : i32
    %add3A_116 = arith.constant 6144 : i32
    %add3A_117 = arith.addi %mul3A_2, %add3A_116 : i32
    %dma_start3A_118 = arith.constant 6144 : i32
    %dma_start3A_119 = tpu.memref_slice %arg8[%dma_start3A_118] : memref<16384xi32, #tpu.memory_space<vmem>> -> memref<2048xi32, #tpu.memory_space<vmem>>
    %dma_start3A_120 = tpu.memref_slice %arg5[%add3A_117] : memref<524288xi32, #tpu.memory_space<hbm>> -> memref<2048xi32, #tpu.memory_space<hbm>>
    %dma_start3A_121 = tpu.memref_slice %arg5[%add3A_117] : memref<524288xi32, #tpu.memory_space<hbm>> -> memref<2048xi32, #tpu.memory_space<hbm>>
    %dma_start3A_122 = arith.constant 6144 : i32
    %dma_start3A_123 = tpu.memref_slice %arg8[%dma_start3A_122] : memref<16384xi32, #tpu.memory_space<vmem>> -> memref<2048xi32, #tpu.memory_space<vmem>>
    tpu.enqueue_dma source(%dma_start3A_123 : memref<2048xi32, #tpu.memory_space<vmem>>) target(%dma_start3A_121 : memref<2048xi32, #tpu.memory_space<hbm>>) target_semaphore(%arg14 : memref<!tpu.dma_semaphore, #tpu.memory_space<semaphore_mem>>)
    %dma_start3A_124 = arith.constant 12288 : i32
    %dma_start3A_125 = tpu.memref_slice %arg8[%dma_start3A_124] : memref<16384xi32, #tpu.memory_space<vmem>> -> memref<2048xi32, #tpu.memory_space<vmem>>
    %dma_start3A_126 = arith.constant 12288 : i32
    %dma_start3A_127 = tpu.memref_slice %arg6[%dma_start3A_126] : memref<16384xi32, #tpu.memory_space<vmem>> -> memref<2048xi32, #tpu.memory_space<vmem>>
    %dma_start3A_128 = arith.constant 0 : i32
    %dma_start3A_129 = tpu.memref_slice %arg9[%dma_start3A_128] : memref<524288xi32, #tpu.memory_space<vmem_shared>> -> memref<524288xi32, #tpu.memory_space<vmem_shared>>
    tpu.enqueue_indirect_dma source(%dma_start3A_129 : memref<524288xi32, #tpu.memory_space<vmem_shared>>) target(%dma_start3A_125 : memref<2048xi32, #tpu.memory_space<vmem>>) offsets(%dma_start3A_127 : memref<2048xi32, #tpu.memory_space<vmem>>) semaphore(%arg10 : memref<!tpu.dma_semaphore, #tpu.memory_space<semaphore_mem>>)
    %dma_wait3A_130 = arith.constant 8192 : i32
    %dma_wait3A_131 = tpu.memref_slice %arg8[%dma_wait3A_130] : memref<16384xi32, #tpu.memory_space<vmem>> -> memref<2048xi32, #tpu.memory_space<vmem>>
    %dma_wait3A_132 = arith.constant 8192 : i32
    %dma_wait3A_133 = tpu.memref_slice %arg6[%dma_wait3A_132] : memref<16384xi32, #tpu.memory_space<vmem>> -> memref<2048xi32, #tpu.memory_space<vmem>>
    %dma_wait3A_134 = arith.constant 0 : i32
    %dma_wait3A_135 = tpu.memref_slice %arg9[%dma_wait3A_134] : memref<524288xi32, #tpu.memory_space<vmem_shared>> -> memref<524288xi32, #tpu.memory_space<vmem_shared>>
    tpu.wait_indirect_dma semaphore(%arg11 : memref<!tpu.dma_semaphore, #tpu.memory_space<semaphore_mem>>) src(%dma_wait3A_135 : memref<524288xi32, #tpu.memory_space<vmem_shared>>) dst(%dma_wait3A_131 : memref<2048xi32, #tpu.memory_space<vmem>>)
    %scan3A_136 = arith.constant 0 : i32
    %scan3A_137 = arith.constant 0 : i32
    %scan3A_138 = arith.constant 128 : i32
    %scan3A_139 = arith.addi %scan3A_137, %scan3A_138 : i32
    %scan3A_140 = arith.constant 1 : i32
    scf.for %scan3A_264 = %scan3A_137 to %scan3A_139 step %scan3A_140  : i32 {
      %mul3A_265 = arith.constant 16 : i32
      %mul3A_266 = arith.muli %scan3A_264, %mul3A_265 : i32
      %add3A_267 = arith.constant 8192 : i32
      %add3A_268 = arith.addi %add3A_267, %mul3A_266 : i32
      %get3A = arith.index_cast %add3A_268 : i32 to index
      %get3A_269 = tpu.vector_load %arg8[%get3A] {strides = array<i32>} : memref<16384xi32, #tpu.memory_space<vmem>>, vector<16xi32>,
      %get3A_270 = vector.shape_cast %get3A_269 : vector<16xi32> to vector<16xi32>
      %get3A_271 = arith.index_cast %add3A_268 : i32 to index
      %get3A_272 = tpu.vector_load %arg7[%get3A_271] {strides = array<i32>} : memref<16384xi32, #tpu.memory_space<vmem>>, vector<16xi32>,
      %get3A_273 = vector.shape_cast %get3A_272 : vector<16xi32> to vector<16xi32>
      %and3A = arith.andi %get3A_270, %get3A_273 : vector<16xi32>
      %swap3A = arith.index_cast %add3A_268 : i32 to index
      %swap3A_274 = tpu.vector_load %arg8[%swap3A] {strides = array<i32>} : memref<16384xi32, #tpu.memory_space<vmem>>, vector<16xi32>,
      %swap3A_275 = vector.shape_cast %swap3A_274 : vector<16xi32> to vector<16xi32>
      %swap3A_276 = vector.shape_cast %and3A : vector<16xi32> to vector<16xi32>
      tpu.vector_store %arg8[%swap3A], %swap3A_276 {strides = array<i32>} : memref<16384xi32, #tpu.memory_space<vmem>>, vector<16xi32>,
    }
    %scan3A_141 = arith.constant 128 : i32
    %add3A_142 = arith.constant 8192 : i32
    %add3A_143 = arith.addi %mul3A_2, %add3A_142 : i32
    %dma_start3A_144 = arith.constant 8192 : i32
    %dma_start3A_145 = tpu.memref_slice %arg8[%dma_start3A_144] : memref<16384xi32, #tpu.memory_space<vmem>> -> memref<2048xi32, #tpu.memory_space<vmem>>
    %dma_start3A_146 = tpu.memref_slice %arg5[%add3A_143] : memref<524288xi32, #tpu.memory_space<hbm>> -> memref<2048xi32, #tpu.memory_space<hbm>>
    %dma_start3A_147 = tpu.memref_slice %arg5[%add3A_143] : memref<524288xi32, #tpu.memory_space<hbm>> -> memref<2048xi32, #tpu.memory_space<hbm>>
    %dma_start3A_148 = arith.constant 8192 : i32
    %dma_start3A_149 = tpu.memref_slice %arg8[%dma_start3A_148] : memref<16384xi32, #tpu.memory_space<vmem>> -> memref<2048xi32, #tpu.memory_space<vmem>>
    tpu.enqueue_dma source(%dma_start3A_149 : memref<2048xi32, #tpu.memory_space<vmem>>) target(%dma_start3A_147 : memref<2048xi32, #tpu.memory_space<hbm>>) target_semaphore(%arg14 : memref<!tpu.dma_semaphore, #tpu.memory_space<semaphore_mem>>)
    %dma_start3A_150 = arith.constant 14336 : i32
    %dma_start3A_151 = tpu.memref_slice %arg8[%dma_start3A_150] : memref<16384xi32, #tpu.memory_space<vmem>> -> memref<2048xi32, #tpu.memory_space<vmem>>
    %dma_start3A_152 = arith.constant 14336 : i32
    %dma_start3A_153 = tpu.memref_slice %arg6[%dma_start3A_152] : memref<16384xi32, #tpu.memory_space<vmem>> -> memref<2048xi32, #tpu.memory_space<vmem>>
    %dma_start3A_154 = arith.constant 0 : i32
    %dma_start3A_155 = tpu.memref_slice %arg9[%dma_start3A_154] : memref<524288xi32, #tpu.memory_space<vmem_shared>> -> memref<524288xi32, #tpu.memory_space<vmem_shared>>
    tpu.enqueue_indirect_dma source(%dma_start3A_155 : memref<524288xi32, #tpu.memory_space<vmem_shared>>) target(%dma_start3A_151 : memref<2048xi32, #tpu.memory_space<vmem>>) offsets(%dma_start3A_153 : memref<2048xi32, #tpu.memory_space<vmem>>) semaphore(%arg11 : memref<!tpu.dma_semaphore, #tpu.memory_space<semaphore_mem>>)
    %dma_wait3A_156 = arith.constant 10240 : i32
    %dma_wait3A_157 = tpu.memref_slice %arg8[%dma_wait3A_156] : memref<16384xi32, #tpu.memory_space<vmem>> -> memref<2048xi32, #tpu.memory_space<vmem>>
    %dma_wait3A_158 = arith.constant 10240 : i32
    %dma_wait3A_159 = tpu.memref_slice %arg6[%dma_wait3A_158] : memref<16384xi32, #tpu.memory_space<vmem>> -> memref<2048xi32, #tpu.memory_space<vmem>>
    %dma_wait3A_160 = arith.constant 0 : i32
    %dma_wait3A_161 = tpu.memref_slice %arg9[%dma_wait3A_160] : memref<524288xi32, #tpu.memory_space<vmem_shared>> -> memref<524288xi32, #tpu.memory_space<vmem_shared>>
    tpu.wait_indirect_dma semaphore(%arg12 : memref<!tpu.dma_semaphore, #tpu.memory_space<semaphore_mem>>) src(%dma_wait3A_161 : memref<524288xi32, #tpu.memory_space<vmem_shared>>) dst(%dma_wait3A_157 : memref<2048xi32, #tpu.memory_space<vmem>>)
    %scan3A_162 = arith.constant 0 : i32
    %scan3A_163 = arith.constant 0 : i32
    %scan3A_164 = arith.constant 128 : i32
    %scan3A_165 = arith.addi %scan3A_163, %scan3A_164 : i32
    %scan3A_166 = arith.constant 1 : i32
    scf.for %scan3A_264 = %scan3A_163 to %scan3A_165 step %scan3A_166  : i32 {
      %mul3A_265 = arith.constant 16 : i32
      %mul3A_266 = arith.muli %scan3A_264, %mul3A_265 : i32
      %add3A_267 = arith.constant 10240 : i32
      %add3A_268 = arith.addi %add3A_267, %mul3A_266 : i32
      %get3A = arith.index_cast %add3A_268 : i32 to index
      %get3A_269 = tpu.vector_load %arg8[%get3A] {strides = array<i32>} : memref<16384xi32, #tpu.memory_space<vmem>>, vector<16xi32>,
      %get3A_270 = vector.shape_cast %get3A_269 : vector<16xi32> to vector<16xi32>
      %get3A_271 = arith.index_cast %add3A_268 : i32 to index
      %get3A_272 = tpu.vector_load %arg7[%get3A_271] {strides = array<i32>} : memref<16384xi32, #tpu.memory_space<vmem>>, vector<16xi32>,
      %get3A_273 = vector.shape_cast %get3A_272 : vector<16xi32> to vector<16xi32>
      %and3A = arith.andi %get3A_270, %get3A_273 : vector<16xi32>
      %swap3A = arith.index_cast %add3A_268 : i32 to index
      %swap3A_274 = tpu.vector_load %arg8[%swap3A] {strides = array<i32>} : memref<16384xi32, #tpu.memory_space<vmem>>, vector<16xi32>,
      %swap3A_275 = vector.shape_cast %swap3A_274 : vector<16xi32> to vector<16xi32>
      %swap3A_276 = vector.shape_cast %and3A : vector<16xi32> to vector<16xi32>
      tpu.vector_store %arg8[%swap3A], %swap3A_276 {strides = array<i32>} : memref<16384xi32, #tpu.memory_space<vmem>>, vector<16xi32>,
    }
    %scan3A_167 = arith.constant 128 : i32
    %add3A_168 = arith.constant 10240 : i32
    %add3A_169 = arith.addi %mul3A_2, %add3A_168 : i32
    %dma_start3A_170 = arith.constant 10240 : i32
    %dma_start3A_171 = tpu.memref_slice %arg8[%dma_start3A_170] : memref<16384xi32, #tpu.memory_space<vmem>> -> memref<2048xi32, #tpu.memory_space<vmem>>
    %dma_start3A_172 = tpu.memref_slice %arg5[%add3A_169] : memref<524288xi32, #tpu.memory_space<hbm>> -> memref<2048xi32, #tpu.memory_space<hbm>>
    %dma_start3A_173 = tpu.memref_slice %arg5[%add3A_169] : memref<524288xi32, #tpu.memory_space<hbm>> -> memref<2048xi32, #tpu.memory_space<hbm>>
    %dma_start3A_174 = arith.constant 10240 : i32
    %dma_start3A_175 = tpu.memref_slice %arg8[%dma_start3A_174] : memref<16384xi32, #tpu.memory_space<vmem>> -> memref<2048xi32, #tpu.memory_space<vmem>>
    tpu.enqueue_dma source(%dma_start3A_175 : memref<2048xi32, #tpu.memory_space<vmem>>) target(%dma_start3A_173 : memref<2048xi32, #tpu.memory_space<hbm>>) target_semaphore(%arg14 : memref<!tpu.dma_semaphore, #tpu.memory_space<semaphore_mem>>)
    %dma_wait3A_176 = arith.constant 12288 : i32
    %dma_wait3A_177 = tpu.memref_slice %arg8[%dma_wait3A_176] : memref<16384xi32, #tpu.memory_space<vmem>> -> memref<2048xi32, #tpu.memory_space<vmem>>
    %dma_wait3A_178 = arith.constant 12288 : i32
    %dma_wait3A_179 = tpu.memref_slice %arg6[%dma_wait3A_178] : memref<16384xi32, #tpu.memory_space<vmem>> -> memref<2048xi32, #tpu.memory_space<vmem>>
    %dma_wait3A_180 = arith.constant 0 : i32
    %dma_wait3A_181 = tpu.memref_slice %arg9[%dma_wait3A_180] : memref<524288xi32, #tpu.memory_space<vmem_shared>> -> memref<524288xi32, #tpu.memory_space<vmem_shared>>
    tpu.wait_indirect_dma semaphore(%arg10 : memref<!tpu.dma_semaphore, #tpu.memory_space<semaphore_mem>>) src(%dma_wait3A_181 : memref<524288xi32, #tpu.memory_space<vmem_shared>>) dst(%dma_wait3A_177 : memref<2048xi32, #tpu.memory_space<vmem>>)
    %scan3A_182 = arith.constant 0 : i32
    %scan3A_183 = arith.constant 0 : i32
    %scan3A_184 = arith.constant 128 : i32
    %scan3A_185 = arith.addi %scan3A_183, %scan3A_184 : i32
    %scan3A_186 = arith.constant 1 : i32
    scf.for %scan3A_264 = %scan3A_183 to %scan3A_185 step %scan3A_186  : i32 {
      %mul3A_265 = arith.constant 16 : i32
      %mul3A_266 = arith.muli %scan3A_264, %mul3A_265 : i32
      %add3A_267 = arith.constant 12288 : i32
      %add3A_268 = arith.addi %add3A_267, %mul3A_266 : i32
      %get3A = arith.index_cast %add3A_268 : i32 to index
      %get3A_269 = tpu.vector_load %arg8[%get3A] {strides = array<i32>} : memref<16384xi32, #tpu.memory_space<vmem>>, vector<16xi32>,
      %get3A_270 = vector.shape_cast %get3A_269 : vector<16xi32> to vector<16xi32>
      %get3A_271 = arith.index_cast %add3A_268 : i32 to index
      %get3A_272 = tpu.vector_load %arg7[%get3A_271] {strides = array<i32>} : memref<16384xi32, #tpu.memory_space<vmem>>, vector<16xi32>,
      %get3A_273 = vector.shape_cast %get3A_272 : vector<16xi32> to vector<16xi32>
      %and3A = arith.andi %get3A_270, %get3A_273 : vector<16xi32>
      %swap3A = arith.index_cast %add3A_268 : i32 to index
      %swap3A_274 = tpu.vector_load %arg8[%swap3A] {strides = array<i32>} : memref<16384xi32, #tpu.memory_space<vmem>>, vector<16xi32>,
      %swap3A_275 = vector.shape_cast %swap3A_274 : vector<16xi32> to vector<16xi32>
      %swap3A_276 = vector.shape_cast %and3A : vector<16xi32> to vector<16xi32>
      tpu.vector_store %arg8[%swap3A], %swap3A_276 {strides = array<i32>} : memref<16384xi32, #tpu.memory_space<vmem>>, vector<16xi32>,
    }
    %scan3A_187 = arith.constant 128 : i32
    %add3A_188 = arith.constant 12288 : i32
    %add3A_189 = arith.addi %mul3A_2, %add3A_188 : i32
    %dma_start3A_190 = arith.constant 12288 : i32
    %dma_start3A_191 = tpu.memref_slice %arg8[%dma_start3A_190] : memref<16384xi32, #tpu.memory_space<vmem>> -> memref<2048xi32, #tpu.memory_space<vmem>>
    %dma_start3A_192 = tpu.memref_slice %arg5[%add3A_189] : memref<524288xi32, #tpu.memory_space<hbm>> -> memref<2048xi32, #tpu.memory_space<hbm>>
    %dma_start3A_193 = tpu.memref_slice %arg5[%add3A_189] : memref<524288xi32, #tpu.memory_space<hbm>> -> memref<2048xi32, #tpu.memory_space<hbm>>
    %dma_start3A_194 = arith.constant 12288 : i32
    %dma_start3A_195 = tpu.memref_slice %arg8[%dma_start3A_194] : memref<16384xi32, #tpu.memory_space<vmem>> -> memref<2048xi32, #tpu.memory_space<vmem>>
    tpu.enqueue_dma source(%dma_start3A_195 : memref<2048xi32, #tpu.memory_space<vmem>>) target(%dma_start3A_193 : memref<2048xi32, #tpu.memory_space<hbm>>) target_semaphore(%arg14 : memref<!tpu.dma_semaphore, #tpu.memory_space<semaphore_mem>>)
    %dma_wait3A_196 = arith.constant 14336 : i32
    %dma_wait3A_197 = tpu.memref_slice %arg8[%dma_wait3A_196] : memref<16384xi32, #tpu.memory_space<vmem>> -> memref<2048xi32, #tpu.memory_space<vmem>>
    %dma_wait3A_198 = arith.constant 14336 : i32
    %dma_wait3A_199 = tpu.memref_slice %arg6[%dma_wait3A_198] : memref<16384xi32, #tpu.memory_space<vmem>> -> memref<2048xi32, #tpu.memory_space<vmem>>
    %dma_wait3A_200 = arith.constant 0 : i32
    %dma_wait3A_201 = tpu.memref_slice %arg9[%dma_wait3A_200] : memref<524288xi32, #tpu.memory_space<vmem_shared>> -> memref<524288xi32, #tpu.memory_space<vmem_shared>>
    tpu.wait_indirect_dma semaphore(%arg11 : memref<!tpu.dma_semaphore, #tpu.memory_space<semaphore_mem>>) src(%dma_wait3A_201 : memref<524288xi32, #tpu.memory_space<vmem_shared>>) dst(%dma_wait3A_197 : memref<2048xi32, #tpu.memory_space<vmem>>)
    %scan3A_202 = arith.constant 0 : i32
    %scan3A_203 = arith.constant 0 : i32
    %scan3A_204 = arith.constant 128 : i32
    %scan3A_205 = arith.addi %scan3A_203, %scan3A_204 : i32
    %scan3A_206 = arith.constant 1 : i32
    scf.for %scan3A_264 = %scan3A_203 to %scan3A_205 step %scan3A_206  : i32 {
      %mul3A_265 = arith.constant 16 : i32
      %mul3A_266 = arith.muli %scan3A_264, %mul3A_265 : i32
      %add3A_267 = arith.constant 14336 : i32
      %add3A_268 = arith.addi %add3A_267, %mul3A_266 : i32
      %get3A = arith.index_cast %add3A_268 : i32 to index
      %get3A_269 = tpu.vector_load %arg8[%get3A] {strides = array<i32>} : memref<16384xi32, #tpu.memory_space<vmem>>, vector<16xi32>,
      %get3A_270 = vector.shape_cast %get3A_269 : vector<16xi32> to vector<16xi32>
      %get3A_271 = arith.index_cast %add3A_268 : i32 to index
      %get3A_272 = tpu.vector_load %arg7[%get3A_271] {strides = array<i32>} : memref<16384xi32, #tpu.memory_space<vmem>>, vector<16xi32>,
      %get3A_273 = vector.shape_cast %get3A_272 : vector<16xi32> to vector<16xi32>
      %and3A = arith.andi %get3A_270, %get3A_273 : vector<16xi32>
      %swap3A = arith.index_cast %add3A_268 : i32 to index
      %swap3A_274 = tpu.vector_load %arg8[%swap3A] {strides = array<i32>} : memref<16384xi32, #tpu.memory_space<vmem>>, vector<16xi32>,
      %swap3A_275 = vector.shape_cast %swap3A_274 : vector<16xi32> to vector<16xi32>
      %swap3A_276 = vector.shape_cast %and3A : vector<16xi32> to vector<16xi32>
      tpu.vector_store %arg8[%swap3A], %swap3A_276 {strides = array<i32>} : memref<16384xi32, #tpu.memory_space<vmem>>, vector<16xi32>,
    }
    %scan3A_207 = arith.constant 128 : i32
    %add3A_208 = arith.constant 14336 : i32
    %add3A_209 = arith.addi %mul3A_2, %add3A_208 : i32
    %dma_start3A_210 = arith.constant 14336 : i32
    %dma_start3A_211 = tpu.memref_slice %arg8[%dma_start3A_210] : memref<16384xi32, #tpu.memory_space<vmem>> -> memref<2048xi32, #tpu.memory_space<vmem>>
    %dma_start3A_212 = tpu.memref_slice %arg5[%add3A_209] : memref<524288xi32, #tpu.memory_space<hbm>> -> memref<2048xi32, #tpu.memory_space<hbm>>
    %dma_start3A_213 = tpu.memref_slice %arg5[%add3A_209] : memref<524288xi32, #tpu.memory_space<hbm>> -> memref<2048xi32, #tpu.memory_space<hbm>>
    %dma_start3A_214 = arith.constant 14336 : i32
    %dma_start3A_215 = tpu.memref_slice %arg8[%dma_start3A_214] : memref<16384xi32, #tpu.memory_space<vmem>> -> memref<2048xi32, #tpu.memory_space<vmem>>
    tpu.enqueue_dma source(%dma_start3A_215 : memref<2048xi32, #tpu.memory_space<vmem>>) target(%dma_start3A_213 : memref<2048xi32, #tpu.memory_space<hbm>>) target_semaphore(%arg14 : memref<!tpu.dma_semaphore, #tpu.memory_space<semaphore_mem>>)
    %dma_wait3A_216 = arith.constant 0 : i32
    %dma_wait3A_217 = tpu.memref_slice %arg8[%dma_wait3A_216] : memref<16384xi32, #tpu.memory_space<vmem>> -> memref<2048xi32, #tpu.memory_space<vmem>>
    %dma_wait3A_218 = tpu.memref_slice %arg5[%add3A_39] : memref<524288xi32, #tpu.memory_space<hbm>> -> memref<2048xi32, #tpu.memory_space<hbm>>
    %dma_wait3A_219 = tpu.memref_slice %arg5[%add3A_39] : memref<524288xi32, #tpu.memory_space<hbm>> -> memref<2048xi32, #tpu.memory_space<hbm>>
    %dma_wait3A_220 = arith.constant 0 : i32
    %dma_wait3A_221 = tpu.memref_slice %arg8[%dma_wait3A_220] : memref<16384xi32, #tpu.memory_space<vmem>> -> memref<2048xi32, #tpu.memory_space<vmem>>
    tpu.wait_dma2 semaphore(%arg14 : memref<!tpu.dma_semaphore, #tpu.memory_space<semaphore_mem>>) src(%dma_wait3A_221 : memref<2048xi32, #tpu.memory_space<vmem>>) dst(%dma_wait3A_219 : memref<2048xi32, #tpu.memory_space<hbm>>)
    %dma_wait3A_222 = arith.constant 2048 : i32
    %dma_wait3A_223 = tpu.memref_slice %arg8[%dma_wait3A_222] : memref<16384xi32, #tpu.memory_space<vmem>> -> memref<2048xi32, #tpu.memory_space<vmem>>
    %dma_wait3A_224 = tpu.memref_slice %arg5[%add3A_65] : memref<524288xi32, #tpu.memory_space<hbm>> -> memref<2048xi32, #tpu.memory_space<hbm>>
    %dma_wait3A_225 = tpu.memref_slice %arg5[%add3A_65] : memref<524288xi32, #tpu.memory_space<hbm>> -> memref<2048xi32, #tpu.memory_space<hbm>>
    %dma_wait3A_226 = arith.constant 2048 : i32
    %dma_wait3A_227 = tpu.memref_slice %arg8[%dma_wait3A_226] : memref<16384xi32, #tpu.memory_space<vmem>> -> memref<2048xi32, #tpu.memory_space<vmem>>
    tpu.wait_dma2 semaphore(%arg14 : memref<!tpu.dma_semaphore, #tpu.memory_space<semaphore_mem>>) src(%dma_wait3A_227 : memref<2048xi32, #tpu.memory_space<vmem>>) dst(%dma_wait3A_225 : memref<2048xi32, #tpu.memory_space<hbm>>)
    %dma_wait3A_228 = arith.constant 4096 : i32
    %dma_wait3A_229 = tpu.memref_slice %arg8[%dma_wait3A_228] : memref<16384xi32, #tpu.memory_space<vmem>> -> memref<2048xi32, #tpu.memory_space<vmem>>
    %dma_wait3A_230 = tpu.memref_slice %arg5[%add3A_91] : memref<524288xi32, #tpu.memory_space<hbm>> -> memref<2048xi32, #tpu.memory_space<hbm>>
    %dma_wait3A_231 = tpu.memref_slice %arg5[%add3A_91] : memref<524288xi32, #tpu.memory_space<hbm>> -> memref<2048xi32, #tpu.memory_space<hbm>>
    %dma_wait3A_232 = arith.constant 4096 : i32
    %dma_wait3A_233 = tpu.memref_slice %arg8[%dma_wait3A_232] : memref<16384xi32, #tpu.memory_space<vmem>> -> memref<2048xi32, #tpu.memory_space<vmem>>
    tpu.wait_dma2 semaphore(%arg14 : memref<!tpu.dma_semaphore, #tpu.memory_space<semaphore_mem>>) src(%dma_wait3A_233 : memref<2048xi32, #tpu.memory_space<vmem>>) dst(%dma_wait3A_231 : memref<2048xi32, #tpu.memory_space<hbm>>)
    %dma_wait3A_234 = arith.constant 6144 : i32
    %dma_wait3A_235 = tpu.memref_slice %arg8[%dma_wait3A_234] : memref<16384xi32, #tpu.memory_space<vmem>> -> memref<2048xi32, #tpu.memory_space<vmem>>
    %dma_wait3A_236 = tpu.memref_slice %arg5[%add3A_117] : memref<524288xi32, #tpu.memory_space<hbm>> -> memref<2048xi32, #tpu.memory_space<hbm>>
    %dma_wait3A_237 = tpu.memref_slice %arg5[%add3A_117] : memref<524288xi32, #tpu.memory_space<hbm>> -> memref<2048xi32, #tpu.memory_space<hbm>>
    %dma_wait3A_238 = arith.constant 6144 : i32
    %dma_wait3A_239 = tpu.memref_slice %arg8[%dma_wait3A_238] : memref<16384xi32, #tpu.memory_space<vmem>> -> memref<2048xi32, #tpu.memory_space<vmem>>
    tpu.wait_dma2 semaphore(%arg14 : memref<!tpu.dma_semaphore, #tpu.memory_space<semaphore_mem>>) src(%dma_wait3A_239 : memref<2048xi32, #tpu.memory_space<vmem>>) dst(%dma_wait3A_237 : memref<2048xi32, #tpu.memory_space<hbm>>)
    %dma_wait3A_240 = arith.constant 8192 : i32
    %dma_wait3A_241 = tpu.memref_slice %arg8[%dma_wait3A_240] : memref<16384xi32, #tpu.memory_space<vmem>> -> memref<2048xi32, #tpu.memory_space<vmem>>
    %dma_wait3A_242 = tpu.memref_slice %arg5[%add3A_143] : memref<524288xi32, #tpu.memory_space<hbm>> -> memref<2048xi32, #tpu.memory_space<hbm>>
    %dma_wait3A_243 = tpu.memref_slice %arg5[%add3A_143] : memref<524288xi32, #tpu.memory_space<hbm>> -> memref<2048xi32, #tpu.memory_space<hbm>>
    %dma_wait3A_244 = arith.constant 8192 : i32
    %dma_wait3A_245 = tpu.memref_slice %arg8[%dma_wait3A_244] : memref<16384xi32, #tpu.memory_space<vmem>> -> memref<2048xi32, #tpu.memory_space<vmem>>
    tpu.wait_dma2 semaphore(%arg14 : memref<!tpu.dma_semaphore, #tpu.memory_space<semaphore_mem>>) src(%dma_wait3A_245 : memref<2048xi32, #tpu.memory_space<vmem>>) dst(%dma_wait3A_243 : memref<2048xi32, #tpu.memory_space<hbm>>)
    %dma_wait3A_246 = arith.constant 10240 : i32
    %dma_wait3A_247 = tpu.memref_slice %arg8[%dma_wait3A_246] : memref<16384xi32, #tpu.memory_space<vmem>> -> memref<2048xi32, #tpu.memory_space<vmem>>
    %dma_wait3A_248 = tpu.memref_slice %arg5[%add3A_169] : memref<524288xi32, #tpu.memory_space<hbm>> -> memref<2048xi32, #tpu.memory_space<hbm>>
    %dma_wait3A_249 = tpu.memref_slice %arg5[%add3A_169] : memref<524288xi32, #tpu.memory_space<hbm>> -> memref<2048xi32, #tpu.memory_space<hbm>>
    %dma_wait3A_250 = arith.constant 10240 : i32
    %dma_wait3A_251 = tpu.memref_slice %arg8[%dma_wait3A_250] : memref<16384xi32, #tpu.memory_space<vmem>> -> memref<2048xi32, #tpu.memory_space<vmem>>
    tpu.wait_dma2 semaphore(%arg14 : memref<!tpu.dma_semaphore, #tpu.memory_space<semaphore_mem>>) src(%dma_wait3A_251 : memref<2048xi32, #tpu.memory_space<vmem>>) dst(%dma_wait3A_249 : memref<2048xi32, #tpu.memory_space<hbm>>)
    %dma_wait3A_252 = arith.constant 12288 : i32
    %dma_wait3A_253 = tpu.memref_slice %arg8[%dma_wait3A_252] : memref<16384xi32, #tpu.memory_space<vmem>> -> memref<2048xi32, #tpu.memory_space<vmem>>
    %dma_wait3A_254 = tpu.memref_slice %arg5[%add3A_189] : memref<524288xi32, #tpu.memory_space<hbm>> -> memref<2048xi32, #tpu.memory_space<hbm>>
    %dma_wait3A_255 = tpu.memref_slice %arg5[%add3A_189] : memref<524288xi32, #tpu.memory_space<hbm>> -> memref<2048xi32, #tpu.memory_space<hbm>>
    %dma_wait3A_256 = arith.constant 12288 : i32
    %dma_wait3A_257 = tpu.memref_slice %arg8[%dma_wait3A_256] : memref<16384xi32, #tpu.memory_space<vmem>> -> memref<2048xi32, #tpu.memory_space<vmem>>
    tpu.wait_dma2 semaphore(%arg14 : memref<!tpu.dma_semaphore, #tpu.memory_space<semaphore_mem>>) src(%dma_wait3A_257 : memref<2048xi32, #tpu.memory_space<vmem>>) dst(%dma_wait3A_255 : memref<2048xi32, #tpu.memory_space<hbm>>)
    %dma_wait3A_258 = arith.constant 14336 : i32
    %dma_wait3A_259 = tpu.memref_slice %arg8[%dma_wait3A_258] : memref<16384xi32, #tpu.memory_space<vmem>> -> memref<2048xi32, #tpu.memory_space<vmem>>
    %dma_wait3A_260 = tpu.memref_slice %arg5[%add3A_209] : memref<524288xi32, #tpu.memory_space<hbm>> -> memref<2048xi32, #tpu.memory_space<hbm>>
    %dma_wait3A_261 = tpu.memref_slice %arg5[%add3A_209] : memref<524288xi32, #tpu.memory_space<hbm>> -> memref<2048xi32, #tpu.memory_space<hbm>>
    %dma_wait3A_262 = arith.constant 14336 : i32
    %dma_wait3A_263 = tpu.memref_slice %arg8[%dma_wait3A_262] : memref<16384xi32, #tpu.memory_space<vmem>> -> memref<2048xi32, #tpu.memory_space<vmem>>
    tpu.wait_dma2 semaphore(%arg14 : memref<!tpu.dma_semaphore, #tpu.memory_space<semaphore_mem>>) src(%dma_wait3A_263 : memref<2048xi32, #tpu.memory_space<vmem>>) dst(%dma_wait3A_261 : memref<2048xi32, #tpu.memory_space<hbm>>)
    return
  }
}

#map = affine_map<(d0, d1) -> (0)>
module attributes {stable_mosaic.version = 14 : i64} {
  func.func @_gather(%arg0: i32, %arg1: i32, %arg2: memref<524288xi32, #tpu.memory_space<hbm>>, %arg3: memref<524288xi32, #tpu.memory_space<hbm>>, %arg4: memref<524288xi32, #tpu.memory_space<hbm>>, %arg5: memref<524288xi32, #tpu.memory_space<hbm>>, %arg6: memref<16384xi32, #tpu.memory_space<vmem>>, %arg7: memref<16384xi32, #tpu.memory_space<vmem>>, %arg8: memref<16384xi32, #tpu.memory_space<vmem>>, %arg9: memref<524288xi32, #tpu.memory_space<vmem_shared>>, %arg10: memref<!tpu.dma_semaphore, #tpu.memory_space<semaphore_mem>>, %arg11: memref<!tpu.dma_semaphore, #tpu.memory_space<semaphore_mem>>, %arg12: memref<!tpu.dma_semaphore, #tpu.memory_space<semaphore_mem>>, %arg13: memref<!tpu.dma_semaphore, #tpu.memory_space<semaphore_mem>>, %arg14: memref<!tpu.dma_semaphore, #tpu.memory_space<semaphore_mem>>) attributes {dimension_semantics = [#tpu.dimension_semantics<core_parallel>, #tpu.dimension_semantics<subcore_parallel>], iteration_bounds = array<i64: 2, 16>, scalar_prefetch = 0 : i64, scratch_operands = 9 : i64, tpu.core_type = #tpu.core_type<sc_vector_subcore>, window_params = [{transform_indices = #map}, {transform_indices = #map}, {transform_indices = #map}, {transform_indices = #map}]} {
    %mul3A = arith.constant 2 : i32
    %mul3A_0 = arith.muli %arg1, %mul3A : i32
    %add3A = arith.addi %mul3A_0, %arg0 : i32
    %mul3A_1 = arith.constant 16384 : i32
    %mul3A_2 = arith.muli %add3A, %mul3A_1 : i32
    %mul3A_3 = arith.constant 32768 : i32
    %mul3A_4 = arith.muli %arg1, %mul3A_3 : i32
    %mul3A_5 = arith.constant 32768 : i32
    %mul3A_6 = arith.muli %arg1, %mul3A_5 : i32
    "tpu.region"() ({
      %run_scoped3A = tpu.sem_alloc : memref<!tpu.dma_semaphore, #tpu.memory_space<semaphore_mem>>
      %dma_start3A_264 = tpu.memref_slice %arg9[%mul3A_6] : memref<524288xi32, #tpu.memory_space<vmem_shared>> -> memref<32768xi32, #tpu.memory_space<vmem_shared>>
      %dma_start3A_265 = tpu.memref_slice %arg4[%mul3A_4] : memref<524288xi32, #tpu.memory_space<hbm>> -> memref<32768xi32, #tpu.memory_space<hbm>>
      tpu.enqueue_dma source(%dma_start3A_265 : memref<32768xi32, #tpu.memory_space<hbm>>) target(%dma_start3A_264 : memref<32768xi32, #tpu.memory_space<vmem_shared>>) target_semaphore(%run_scoped3A : memref<!tpu.dma_semaphore, #tpu.memory_space<semaphore_mem>>)
      %dma_wait3A_266 = tpu.memref_slice %arg9[%mul3A_6] : memref<524288xi32, #tpu.memory_space<vmem_shared>> -> memref<32768xi32, #tpu.memory_space<vmem_shared>>
      %dma_wait3A_267 = tpu.memref_slice %arg4[%mul3A_4] : memref<524288xi32, #tpu.memory_space<hbm>> -> memref<32768xi32, #tpu.memory_space<hbm>>
      tpu.wait_dma2 semaphore(%run_scoped3A : memref<!tpu.dma_semaphore, #tpu.memory_space<semaphore_mem>>) src(%dma_wait3A_267 : memref<32768xi32, #tpu.memory_space<hbm>>) dst(%dma_wait3A_266 : memref<32768xi32, #tpu.memory_space<vmem_shared>>)
      tpu.yield
    }) : () -> ()
    "tpu.region"() ({
      %run_scoped3A = tpu.sem_alloc : memref<!tpu.dma_semaphore, #tpu.memory_space<semaphore_mem>>
      %dma_start3A_264 = tpu.memref_slice %arg2[%mul3A_2] : memref<524288xi32, #tpu.memory_space<hbm>> -> memref<16384xi32, #tpu.memory_space<hbm>>
      %dma_start3A_265 = tpu.memref_slice %arg2[%mul3A_2] : memref<524288xi32, #tpu.memory_space<hbm>> -> memref<16384xi32, #tpu.memory_space<hbm>>
      tpu.enqueue_dma source(%dma_start3A_265 : memref<16384xi32, #tpu.memory_space<hbm>>) target(%arg6 : memref<16384xi32, #tpu.memory_space<vmem>>) target_semaphore(%run_scoped3A : memref<!tpu.dma_semaphore, #tpu.memory_space<semaphore_mem>>)
      %dma_wait3A_266 = tpu.memref_slice %arg2[%mul3A_2] : memref<524288xi32, #tpu.memory_space<hbm>> -> memref<16384xi32, #tpu.memory_space<hbm>>
      %dma_wait3A_267 = tpu.memref_slice %arg2[%mul3A_2] : memref<524288xi32, #tpu.memory_space<hbm>> -> memref<16384xi32, #tpu.memory_space<hbm>>
      tpu.wait_dma2 semaphore(%run_scoped3A : memref<!tpu.dma_semaphore, #tpu.memory_space<semaphore_mem>>) src(%dma_wait3A_267 : memref<16384xi32, #tpu.memory_space<hbm>>) dst(%arg6 : memref<16384xi32, #tpu.memory_space<vmem>>)
      tpu.yield
    }) : () -> ()
    %dma_start3A = tpu.memref_slice %arg3[%mul3A_2] : memref<524288xi32, #tpu.memory_space<hbm>> -> memref<16384xi32, #tpu.memory_space<hbm>>
    %dma_start3A_7 = tpu.memref_slice %arg3[%mul3A_2] : memref<524288xi32, #tpu.memory_space<hbm>> -> memref<16384xi32, #tpu.memory_space<hbm>>
    tpu.enqueue_dma source(%dma_start3A_7 : memref<16384xi32, #tpu.memory_space<hbm>>) target(%arg7 : memref<16384xi32, #tpu.memory_space<vmem>>) target_semaphore(%arg13 : memref<!tpu.dma_semaphore, #tpu.memory_space<semaphore_mem>>)
    %barrier3A = arith.constant 0 : index
    tpu.barrier barrier_id(%barrier3A)
    %dma_start3A_8 = arith.constant 0 : i32
    %dma_start3A_9 = tpu.memref_slice %arg8[%dma_start3A_8] : memref<16384xi32, #tpu.memory_space<vmem>> -> memref<2048xi32, #tpu.memory_space<vmem>>
    %dma_start3A_10 = arith.constant 0 : i32
    %dma_start3A_11 = tpu.memref_slice %arg6[%dma_start3A_10] : memref<16384xi32, #tpu.memory_space<vmem>> -> memref<2048xi32, #tpu.memory_space<vmem>>
    %dma_start3A_12 = arith.constant 0 : i32
    %dma_start3A_13 = tpu.memref_slice %arg9[%dma_start3A_12] : memref<524288xi32, #tpu.memory_space<vmem_shared>> -> memref<524288xi32, #tpu.memory_space<vmem_shared>>
    tpu.enqueue_indirect_dma source(%dma_start3A_13 : memref<524288xi32, #tpu.memory_space<vmem_shared>>) target(%dma_start3A_9 : memref<2048xi32, #tpu.memory_space<vmem>>) offsets(%dma_start3A_11 : memref<2048xi32, #tpu.memory_space<vmem>>) semaphore(%arg10 : memref<!tpu.dma_semaphore, #tpu.memory_space<semaphore_mem>>)
    %dma_start3A_14 = arith.constant 2048 : i32
    %dma_start3A_15 = tpu.memref_slice %arg8[%dma_start3A_14] : memref<16384xi32, #tpu.memory_space<vmem>> -> memref<2048xi32, #tpu.memory_space<vmem>>
    %dma_start3A_16 = arith.constant 2048 : i32
    %dma_start3A_17 = tpu.memref_slice %arg6[%dma_start3A_16] : memref<16384xi32, #tpu.memory_space<vmem>> -> memref<2048xi32, #tpu.memory_space<vmem>>
    %dma_start3A_18 = arith.constant 0 : i32
    %dma_start3A_19 = tpu.memref_slice %arg9[%dma_start3A_18] : memref<524288xi32, #tpu.memory_space<vmem_shared>> -> memref<524288xi32, #tpu.memory_space<vmem_shared>>
    tpu.enqueue_indirect_dma source(%dma_start3A_19 : memref<524288xi32, #tpu.memory_space<vmem_shared>>) target(%dma_start3A_15 : memref<2048xi32, #tpu.memory_space<vmem>>) offsets(%dma_start3A_17 : memref<2048xi32, #tpu.memory_space<vmem>>) semaphore(%arg11 : memref<!tpu.dma_semaphore, #tpu.memory_space<semaphore_mem>>)
    %dma_wait3A = tpu.memref_slice %arg3[%mul3A_2] : memref<524288xi32, #tpu.memory_space<hbm>> -> memref<16384xi32, #tpu.memory_space<hbm>>
    %dma_wait3A_20 = tpu.memref_slice %arg3[%mul3A_2] : memref<524288xi32, #tpu.memory_space<hbm>> -> memref<16384xi32, #tpu.memory_space<hbm>>
    tpu.wait_dma2 semaphore(%arg13 : memref<!tpu.dma_semaphore, #tpu.memory_space<semaphore_mem>>) src(%dma_wait3A_20 : memref<16384xi32, #tpu.memory_space<hbm>>) dst(%arg7 : memref<16384xi32, #tpu.memory_space<vmem>>)
    %dma_start3A_21 = arith.constant 4096 : i32
    %dma_start3A_22 = tpu.memref_slice %arg8[%dma_start3A_21] : memref<16384xi32, #tpu.memory_space<vmem>> -> memref<2048xi32, #tpu.memory_space<vmem>>
    %dma_start3A_23 = arith.constant 4096 : i32
    %dma_start3A_24 = tpu.memref_slice %arg6[%dma_start3A_23] : memref<16384xi32, #tpu.memory_space<vmem>> -> memref<2048xi32, #tpu.memory_space<vmem>>
    %dma_start3A_25 = arith.constant 0 : i32
    %dma_start3A_26 = tpu.memref_slice %arg9[%dma_start3A_25] : memref<524288xi32, #tpu.memory_space<vmem_shared>> -> memref<524288xi32, #tpu.memory_space<vmem_shared>>
    tpu.enqueue_indirect_dma source(%dma_start3A_26 : memref<524288xi32, #tpu.memory_space<vmem_shared>>) target(%dma_start3A_22 : memref<2048xi32, #tpu.memory_space<vmem>>) offsets(%dma_start3A_24 : memref<2048xi32, #tpu.memory_space<vmem>>) semaphore(%arg12 : memref<!tpu.dma_semaphore, #tpu.memory_space<semaphore_mem>>)
    %dma_wait3A_27 = arith.constant 0 : i32
    %dma_wait3A_28 = tpu.memref_slice %arg8[%dma_wait3A_27] : memref<16384xi32, #tpu.memory_space<vmem>> -> memref<2048xi32, #tpu.memory_space<vmem>>
    %dma_wait3A_29 = arith.constant 0 : i32
    %dma_wait3A_30 = tpu.memref_slice %arg6[%dma_wait3A_29] : memref<16384xi32, #tpu.memory_space<vmem>> -> memref<2048xi32, #tpu.memory_space<vmem>>
    %dma_wait3A_31 = arith.constant 0 : i32
    %dma_wait3A_32 = tpu.memref_slice %arg9[%dma_wait3A_31] : memref<524288xi32, #tpu.memory_space<vmem_shared>> -> memref<524288xi32, #tpu.memory_space<vmem_shared>>
    tpu.wait_indirect_dma semaphore(%arg10 : memref<!tpu.dma_semaphore, #tpu.memory_space<semaphore_mem>>) src(%dma_wait3A_32 : memref<524288xi32, #tpu.memory_space<vmem_shared>>) dst(%dma_wait3A_28 : memref<2048xi32, #tpu.memory_space<vmem>>)
    %scan3A = arith.constant 0 : i32
    %scan3A_33 = arith.constant 0 : i32
    %scan3A_34 = arith.constant 128 : i32
    %scan3A_35 = arith.addi %scan3A_33, %scan3A_34 : i32
    %scan3A_36 = arith.constant 1 : i32
    scf.for %scan3A_264 = %scan3A_33 to %scan3A_35 step %scan3A_36  : i32 {
      %mul3A_265 = arith.constant 16 : i32
      %mul3A_266 = arith.muli %scan3A_264, %mul3A_265 : i32
      %add3A_267 = arith.constant 0 : i32
      %add3A_268 = arith.addi %add3A_267, %mul3A_266 : i32
      %get3A = arith.index_cast %add3A_268 : i32 to index
      %get3A_269 = tpu.vector_load %arg8[%get3A] {strides = array<i32>} : memref<16384xi32, #tpu.memory_space<vmem>>, vector<16xi32>,
      %get3A_270 = vector.shape_cast %get3A_269 : vector<16xi32> to vector<16xi32>
      %get3A_271 = arith.index_cast %add3A_268 : i32 to index
      %get3A_272 = tpu.vector_load %arg7[%get3A_271] {strides = array<i32>} : memref<16384xi32, #tpu.memory_space<vmem>>, vector<16xi32>,
      %get3A_273 = vector.shape_cast %get3A_272 : vector<16xi32> to vector<16xi32>
      %and3A = arith.andi %get3A_270, %get3A_273 : vector<16xi32>
      %swap3A = arith.index_cast %add3A_268 : i32 to index
      %swap3A_274 = tpu.vector_load %arg8[%swap3A] {strides = array<i32>} : memref<16384xi32, #tpu.memory_space<vmem>>, vector<16xi32>,
      %swap3A_275 = vector.shape_cast %swap3A_274 : vector<16xi32> to vector<16xi32>
      %swap3A_276 = vector.shape_cast %and3A : vector<16xi32> to vector<16xi32>
      tpu.vector_store %arg8[%swap3A], %swap3A_276 {strides = array<i32>} : memref<16384xi32, #tpu.memory_space<vmem>>, vector<16xi32>,
    }
    %scan3A_37 = arith.constant 128 : i32
    %add3A_38 = arith.constant 0 : i32
    %add3A_39 = arith.addi %mul3A_2, %add3A_38 : i32
    %dma_start3A_40 = arith.constant 0 : i32
    %dma_start3A_41 = tpu.memref_slice %arg8[%dma_start3A_40] : memref<16384xi32, #tpu.memory_space<vmem>> -> memref<2048xi32, #tpu.memory_space<vmem>>
    %dma_start3A_42 = tpu.memref_slice %arg5[%add3A_39] : memref<524288xi32, #tpu.memory_space<hbm>> -> memref<2048xi32, #tpu.memory_space<hbm>>
    %dma_start3A_43 = tpu.memref_slice %arg5[%add3A_39] : memref<524288xi32, #tpu.memory_space<hbm>> -> memref<2048xi32, #tpu.memory_space<hbm>>
    %dma_start3A_44 = arith.constant 0 : i32
    %dma_start3A_45 = tpu.memref_slice %arg8[%dma_start3A_44] : memref<16384xi32, #tpu.memory_space<vmem>> -> memref<2048xi32, #tpu.memory_space<vmem>>
    tpu.enqueue_dma source(%dma_start3A_45 : memref<2048xi32, #tpu.memory_space<vmem>>) target(%dma_start3A_43 : memref<2048xi32, #tpu.memory_space<hbm>>) target_semaphore(%arg14 : memref<!tpu.dma_semaphore, #tpu.memory_space<semaphore_mem>>)
    %dma_start3A_46 = arith.constant 6144 : i32
    %dma_start3A_47 = tpu.memref_slice %arg8[%dma_start3A_46] : memref<16384xi32, #tpu.memory_space<vmem>> -> memref<2048xi32, #tpu.memory_space<vmem>>
    %dma_start3A_48 = arith.constant 6144 : i32
    %dma_start3A_49 = tpu.memref_slice %arg6[%dma_start3A_48] : memref<16384xi32, #tpu.memory_space<vmem>> -> memref<2048xi32, #tpu.memory_space<vmem>>
    %dma_start3A_50 = arith.constant 0 : i32
    %dma_start3A_51 = tpu.memref_slice %arg9[%dma_start3A_50] : memref<524288xi32, #tpu.memory_space<vmem_shared>> -> memref<524288xi32, #tpu.memory_space<vmem_shared>>
    tpu.enqueue_indirect_dma source(%dma_start3A_51 : memref<524288xi32, #tpu.memory_space<vmem_shared>>) target(%dma_start3A_47 : memref<2048xi32, #tpu.memory_space<vmem>>) offsets(%dma_start3A_49 : memref<2048xi32, #tpu.memory_space<vmem>>) semaphore(%arg10 : memref<!tpu.dma_semaphore, #tpu.memory_space<semaphore_mem>>)
    %dma_wait3A_52 = arith.constant 2048 : i32
    %dma_wait3A_53 = tpu.memref_slice %arg8[%dma_wait3A_52] : memref<16384xi32, #tpu.memory_space<vmem>> -> memref<2048xi32, #tpu.memory_space<vmem>>
    %dma_wait3A_54 = arith.constant 2048 : i32
    %dma_wait3A_55 = tpu.memref_slice %arg6[%dma_wait3A_54] : memref<16384xi32, #tpu.memory_space<vmem>> -> memref<2048xi32, #tpu.memory_space<vmem>>
    %dma_wait3A_56 = arith.constant 0 : i32
    %dma_wait3A_57 = tpu.memref_slice %arg9[%dma_wait3A_56] : memref<524288xi32, #tpu.memory_space<vmem_shared>> -> memref<524288xi32, #tpu.memory_space<vmem_shared>>
    tpu.wait_indirect_dma semaphore(%arg11 : memref<!tpu.dma_semaphore, #tpu.memory_space<semaphore_mem>>) src(%dma_wait3A_57 : memref<524288xi32, #tpu.memory_space<vmem_shared>>) dst(%dma_wait3A_53 : memref<2048xi32, #tpu.memory_space<vmem>>)
    %scan3A_58 = arith.constant 0 : i32
    %scan3A_59 = arith.constant 0 : i32
    %scan3A_60 = arith.constant 128 : i32
    %scan3A_61 = arith.addi %scan3A_59, %scan3A_60 : i32
    %scan3A_62 = arith.constant 1 : i32
    scf.for %scan3A_264 = %scan3A_59 to %scan3A_61 step %scan3A_62  : i32 {
      %mul3A_265 = arith.constant 16 : i32
      %mul3A_266 = arith.muli %scan3A_264, %mul3A_265 : i32
      %add3A_267 = arith.constant 2048 : i32
      %add3A_268 = arith.addi %add3A_267, %mul3A_266 : i32
      %get3A = arith.index_cast %add3A_268 : i32 to index
      %get3A_269 = tpu.vector_load %arg8[%get3A] {strides = array<i32>} : memref<16384xi32, #tpu.memory_space<vmem>>, vector<16xi32>,
      %get3A_270 = vector.shape_cast %get3A_269 : vector<16xi32> to vector<16xi32>
      %get3A_271 = arith.index_cast %add3A_268 : i32 to index
      %get3A_272 = tpu.vector_load %arg7[%get3A_271] {strides = array<i32>} : memref<16384xi32, #tpu.memory_space<vmem>>, vector<16xi32>,
      %get3A_273 = vector.shape_cast %get3A_272 : vector<16xi32> to vector<16xi32>
      %and3A = arith.andi %get3A_270, %get3A_273 : vector<16xi32>
      %swap3A = arith.index_cast %add3A_268 : i32 to index
      %swap3A_274 = tpu.vector_load %arg8[%swap3A] {strides = array<i32>} : memref<16384xi32, #tpu.memory_space<vmem>>, vector<16xi32>,
      %swap3A_275 = vector.shape_cast %swap3A_274 : vector<16xi32> to vector<16xi32>
      %swap3A_276 = vector.shape_cast %and3A : vector<16xi32> to vector<16xi32>
      tpu.vector_store %arg8[%swap3A], %swap3A_276 {strides = array<i32>} : memref<16384xi32, #tpu.memory_space<vmem>>, vector<16xi32>,
    }
    %scan3A_63 = arith.constant 128 : i32
    %add3A_64 = arith.constant 2048 : i32
    %add3A_65 = arith.addi %mul3A_2, %add3A_64 : i32
    %dma_start3A_66 = arith.constant 2048 : i32
    %dma_start3A_67 = tpu.memref_slice %arg8[%dma_start3A_66] : memref<16384xi32, #tpu.memory_space<vmem>> -> memref<2048xi32, #tpu.memory_space<vmem>>
    %dma_start3A_68 = tpu.memref_slice %arg5[%add3A_65] : memref<524288xi32, #tpu.memory_space<hbm>> -> memref<2048xi32, #tpu.memory_space<hbm>>
    %dma_start3A_69 = tpu.memref_slice %arg5[%add3A_65] : memref<524288xi32, #tpu.memory_space<hbm>> -> memref<2048xi32, #tpu.memory_space<hbm>>
    %dma_start3A_70 = arith.constant 2048 : i32
    %dma_start3A_71 = tpu.memref_slice %arg8[%dma_start3A_70] : memref<16384xi32, #tpu.memory_space<vmem>> -> memref<2048xi32, #tpu.memory_space<vmem>>
    tpu.enqueue_dma source(%dma_start3A_71 : memref<2048xi32, #tpu.memory_space<vmem>>) target(%dma_start3A_69 : memref<2048xi32, #tpu.memory_space<hbm>>) target_semaphore(%arg14 : memref<!tpu.dma_semaphore, #tpu.memory_space<semaphore_mem>>)
    %dma_start3A_72 = arith.constant 8192 : i32
    %dma_start3A_73 = tpu.memref_slice %arg8[%dma_start3A_72] : memref<16384xi32, #tpu.memory_space<vmem>> -> memref<2048xi32, #tpu.memory_space<vmem>>
    %dma_start3A_74 = arith.constant 8192 : i32
    %dma_start3A_75 = tpu.memref_slice %arg6[%dma_start3A_74] : memref<16384xi32, #tpu.memory_space<vmem>> -> memref<2048xi32, #tpu.memory_space<vmem>>
    %dma_start3A_76 = arith.constant 0 : i32
    %dma_start3A_77 = tpu.memref_slice %arg9[%dma_start3A_76] : memref<524288xi32, #tpu.memory_space<vmem_shared>> -> memref<524288xi32, #tpu.memory_space<vmem_shared>>
    tpu.enqueue_indirect_dma source(%dma_start3A_77 : memref<524288xi32, #tpu.memory_space<vmem_shared>>) target(%dma_start3A_73 : memref<2048xi32, #tpu.memory_space<vmem>>) offsets(%dma_start3A_75 : memref<2048xi32, #tpu.memory_space<vmem>>) semaphore(%arg11 : memref<!tpu.dma_semaphore, #tpu.memory_space<semaphore_mem>>)
    %dma_wait3A_78 = arith.constant 4096 : i32
    %dma_wait3A_79 = tpu.memref_slice %arg8[%dma_wait3A_78] : memref<16384xi32, #tpu.memory_space<vmem>> -> memref<2048xi32, #tpu.memory_space<vmem>>
    %dma_wait3A_80 = arith.constant 4096 : i32
    %dma_wait3A_81 = tpu.memref_slice %arg6[%dma_wait3A_80] : memref<16384xi32, #tpu.memory_space<vmem>> -> memref<2048xi32, #tpu.memory_space<vmem>>
    %dma_wait3A_82 = arith.constant 0 : i32
    %dma_wait3A_83 = tpu.memref_slice %arg9[%dma_wait3A_82] : memref<524288xi32, #tpu.memory_space<vmem_shared>> -> memref<524288xi32, #tpu.memory_space<vmem_shared>>
    tpu.wait_indirect_dma semaphore(%arg12 : memref<!tpu.dma_semaphore, #tpu.memory_space<semaphore_mem>>) src(%dma_wait3A_83 : memref<524288xi32, #tpu.memory_space<vmem_shared>>) dst(%dma_wait3A_79 : memref<2048xi32, #tpu.memory_space<vmem>>)
    %scan3A_84 = arith.constant 0 : i32
    %scan3A_85 = arith.constant 0 : i32
    %scan3A_86 = arith.constant 128 : i32
    %scan3A_87 = arith.addi %scan3A_85, %scan3A_86 : i32
    %scan3A_88 = arith.constant 1 : i32
    scf.for %scan3A_264 = %scan3A_85 to %scan3A_87 step %scan3A_88  : i32 {
      %mul3A_265 = arith.constant 16 : i32
      %mul3A_266 = arith.muli %scan3A_264, %mul3A_265 : i32
      %add3A_267 = arith.constant 4096 : i32
      %add3A_268 = arith.addi %add3A_267, %mul3A_266 : i32
      %get3A = arith.index_cast %add3A_268 : i32 to index
      %get3A_269 = tpu.vector_load %arg8[%get3A] {strides = array<i32>} : memref<16384xi32, #tpu.memory_space<vmem>>, vector<16xi32>,
      %get3A_270 = vector.shape_cast %get3A_269 : vector<16xi32> to vector<16xi32>
      %get3A_271 = arith.index_cast %add3A_268 : i32 to index
      %get3A_272 = tpu.vector_load %arg7[%get3A_271] {strides = array<i32>} : memref<16384xi32, #tpu.memory_space<vmem>>, vector<16xi32>,
      %get3A_273 = vector.shape_cast %get3A_272 : vector<16xi32> to vector<16xi32>
      %and3A = arith.andi %get3A_270, %get3A_273 : vector<16xi32>
      %swap3A = arith.index_cast %add3A_268 : i32 to index
      %swap3A_274 = tpu.vector_load %arg8[%swap3A] {strides = array<i32>} : memref<16384xi32, #tpu.memory_space<vmem>>, vector<16xi32>,
      %swap3A_275 = vector.shape_cast %swap3A_274 : vector<16xi32> to vector<16xi32>
      %swap3A_276 = vector.shape_cast %and3A : vector<16xi32> to vector<16xi32>
      tpu.vector_store %arg8[%swap3A], %swap3A_276 {strides = array<i32>} : memref<16384xi32, #tpu.memory_space<vmem>>, vector<16xi32>,
    }
    %scan3A_89 = arith.constant 128 : i32
    %add3A_90 = arith.constant 4096 : i32
    %add3A_91 = arith.addi %mul3A_2, %add3A_90 : i32
    %dma_start3A_92 = arith.constant 4096 : i32
    %dma_start3A_93 = tpu.memref_slice %arg8[%dma_start3A_92] : memref<16384xi32, #tpu.memory_space<vmem>> -> memref<2048xi32, #tpu.memory_space<vmem>>
    %dma_start3A_94 = tpu.memref_slice %arg5[%add3A_91] : memref<524288xi32, #tpu.memory_space<hbm>> -> memref<2048xi32, #tpu.memory_space<hbm>>
    %dma_start3A_95 = tpu.memref_slice %arg5[%add3A_91] : memref<524288xi32, #tpu.memory_space<hbm>> -> memref<2048xi32, #tpu.memory_space<hbm>>
    %dma_start3A_96 = arith.constant 4096 : i32
    %dma_start3A_97 = tpu.memref_slice %arg8[%dma_start3A_96] : memref<16384xi32, #tpu.memory_space<vmem>> -> memref<2048xi32, #tpu.memory_space<vmem>>
    tpu.enqueue_dma source(%dma_start3A_97 : memref<2048xi32, #tpu.memory_space<vmem>>) target(%dma_start3A_95 : memref<2048xi32, #tpu.memory_space<hbm>>) target_semaphore(%arg14 : memref<!tpu.dma_semaphore, #tpu.memory_space<semaphore_mem>>)
    %dma_start3A_98 = arith.constant 10240 : i32
    %dma_start3A_99 = tpu.memref_slice %arg8[%dma_start3A_98] : memref<16384xi32, #tpu.memory_space<vmem>> -> memref<2048xi32, #tpu.memory_space<vmem>>
    %dma_start3A_100 = arith.constant 10240 : i32
    %dma_start3A_101 = tpu.memref_slice %arg6[%dma_start3A_100] : memref<16384xi32, #tpu.memory_space<vmem>> -> memref<2048xi32, #tpu.memory_space<vmem>>
    %dma_start3A_102 = arith.constant 0 : i32
    %dma_start3A_103 = tpu.memref_slice %arg9[%dma_start3A_102] : memref<524288xi32, #tpu.memory_space<vmem_shared>> -> memref<524288xi32, #tpu.memory_space<vmem_shared>>
    tpu.enqueue_indirect_dma source(%dma_start3A_103 : memref<524288xi32, #tpu.memory_space<vmem_shared>>) target(%dma_start3A_99 : memref<2048xi32, #tpu.memory_space<vmem>>) offsets(%dma_start3A_101 : memref<2048xi32, #tpu.memory_space<vmem>>) semaphore(%arg12 : memref<!tpu.dma_semaphore, #tpu.memory_space<semaphore_mem>>)
    %dma_wait3A_104 = arith.constant 6144 : i32
    %dma_wait3A_105 = tpu.memref_slice %arg8[%dma_wait3A_104] : memref<16384xi32, #tpu.memory_space<vmem>> -> memref<2048xi32, #tpu.memory_space<vmem>>
    %dma_wait3A_106 = arith.constant 6144 : i32
    %dma_wait3A_107 = tpu.memref_slice %arg6[%dma_wait3A_106] : memref<16384xi32, #tpu.memory_space<vmem>> -> memref<2048xi32, #tpu.memory_space<vmem>>
    %dma_wait3A_108 = arith.constant 0 : i32
    %dma_wait3A_109 = tpu.memref_slice %arg9[%dma_wait3A_108] : memref<524288xi32, #tpu.memory_space<vmem_shared>> -> memref<524288xi32, #tpu.memory_space<vmem_shared>>
    tpu.wait_indirect_dma semaphore(%arg10 : memref<!tpu.dma_semaphore, #tpu.memory_space<semaphore_mem>>) src(%dma_wait3A_109 : memref<524288xi32, #tpu.memory_space<vmem_shared>>) dst(%dma_wait3A_105 : memref<2048xi32, #tpu.memory_space<vmem>>)
    %scan3A_110 = arith.constant 0 : i32
    %scan3A_111 = arith.constant 0 : i32
    %scan3A_112 = arith.constant 128 : i32
    %scan3A_113 = arith.addi %scan3A_111, %scan3A_112 : i32
    %scan3A_114 = arith.constant 1 : i32
    scf.for %scan3A_264 = %scan3A_111 to %scan3A_113 step %scan3A_114  : i32 {
      %mul3A_265 = arith.constant 16 : i32
      %mul3A_266 = arith.muli %scan3A_264, %mul3A_265 : i32
      %add3A_267 = arith.constant 6144 : i32
      %add3A_268 = arith.addi %add3A_267, %mul3A_266 : i32
      %get3A = arith.index_cast %add3A_268 : i32 to index
      %get3A_269 = tpu.vector_load %arg8[%get3A] {strides = array<i32>} : memref<16384xi32, #tpu.memory_space<vmem>>, vector<16xi32>,
      %get3A_270 = vector.shape_cast %get3A_269 : vector<16xi32> to vector<16xi32>
      %get3A_271 = arith.index_cast %add3A_268 : i32 to index
      %get3A_272 = tpu.vector_load %arg7[%get3A_271] {strides = array<i32>} : memref<16384xi32, #tpu.memory_space<vmem>>, vector<16xi32>,
      %get3A_273 = vector.shape_cast %get3A_272 : vector<16xi32> to vector<16xi32>
      %and3A = arith.andi %get3A_270, %get3A_273 : vector<16xi32>
      %swap3A = arith.index_cast %add3A_268 : i32 to index
      %swap3A_274 = tpu.vector_load %arg8[%swap3A] {strides = array<i32>} : memref<16384xi32, #tpu.memory_space<vmem>>, vector<16xi32>,
      %swap3A_275 = vector.shape_cast %swap3A_274 : vector<16xi32> to vector<16xi32>
      %swap3A_276 = vector.shape_cast %and3A : vector<16xi32> to vector<16xi32>
      tpu.vector_store %arg8[%swap3A], %swap3A_276 {strides = array<i32>} : memref<16384xi32, #tpu.memory_space<vmem>>, vector<16xi32>,
    }
    %scan3A_115 = arith.constant 128 : i32
    %add3A_116 = arith.constant 6144 : i32
    %add3A_117 = arith.addi %mul3A_2, %add3A_116 : i32
    %dma_start3A_118 = arith.constant 6144 : i32
    %dma_start3A_119 = tpu.memref_slice %arg8[%dma_start3A_118] : memref<16384xi32, #tpu.memory_space<vmem>> -> memref<2048xi32, #tpu.memory_space<vmem>>
    %dma_start3A_120 = tpu.memref_slice %arg5[%add3A_117] : memref<524288xi32, #tpu.memory_space<hbm>> -> memref<2048xi32, #tpu.memory_space<hbm>>
    %dma_start3A_121 = tpu.memref_slice %arg5[%add3A_117] : memref<524288xi32, #tpu.memory_space<hbm>> -> memref<2048xi32, #tpu.memory_space<hbm>>
    %dma_start3A_122 = arith.constant 6144 : i32
    %dma_start3A_123 = tpu.memref_slice %arg8[%dma_start3A_122] : memref<16384xi32, #tpu.memory_space<vmem>> -> memref<2048xi32, #tpu.memory_space<vmem>>
    tpu.enqueue_dma source(%dma_start3A_123 : memref<2048xi32, #tpu.memory_space<vmem>>) target(%dma_start3A_121 : memref<2048xi32, #tpu.memory_space<hbm>>) target_semaphore(%arg14 : memref<!tpu.dma_semaphore, #tpu.memory_space<semaphore_mem>>)
    %dma_start3A_124 = arith.constant 12288 : i32
    %dma_start3A_125 = tpu.memref_slice %arg8[%dma_start3A_124] : memref<16384xi32, #tpu.memory_space<vmem>> -> memref<2048xi32, #tpu.memory_space<vmem>>
    %dma_start3A_126 = arith.constant 12288 : i32
    %dma_start3A_127 = tpu.memref_slice %arg6[%dma_start3A_126] : memref<16384xi32, #tpu.memory_space<vmem>> -> memref<2048xi32, #tpu.memory_space<vmem>>
    %dma_start3A_128 = arith.constant 0 : i32
    %dma_start3A_129 = tpu.memref_slice %arg9[%dma_start3A_128] : memref<524288xi32, #tpu.memory_space<vmem_shared>> -> memref<524288xi32, #tpu.memory_space<vmem_shared>>
    tpu.enqueue_indirect_dma source(%dma_start3A_129 : memref<524288xi32, #tpu.memory_space<vmem_shared>>) target(%dma_start3A_125 : memref<2048xi32, #tpu.memory_space<vmem>>) offsets(%dma_start3A_127 : memref<2048xi32, #tpu.memory_space<vmem>>) semaphore(%arg10 : memref<!tpu.dma_semaphore, #tpu.memory_space<semaphore_mem>>)
    %dma_wait3A_130 = arith.constant 8192 : i32
    %dma_wait3A_131 = tpu.memref_slice %arg8[%dma_wait3A_130] : memref<16384xi32, #tpu.memory_space<vmem>> -> memref<2048xi32, #tpu.memory_space<vmem>>
    %dma_wait3A_132 = arith.constant 8192 : i32
    %dma_wait3A_133 = tpu.memref_slice %arg6[%dma_wait3A_132] : memref<16384xi32, #tpu.memory_space<vmem>> -> memref<2048xi32, #tpu.memory_space<vmem>>
    %dma_wait3A_134 = arith.constant 0 : i32
    %dma_wait3A_135 = tpu.memref_slice %arg9[%dma_wait3A_134] : memref<524288xi32, #tpu.memory_space<vmem_shared>> -> memref<524288xi32, #tpu.memory_space<vmem_shared>>
    tpu.wait_indirect_dma semaphore(%arg11 : memref<!tpu.dma_semaphore, #tpu.memory_space<semaphore_mem>>) src(%dma_wait3A_135 : memref<524288xi32, #tpu.memory_space<vmem_shared>>) dst(%dma_wait3A_131 : memref<2048xi32, #tpu.memory_space<vmem>>)
    %scan3A_136 = arith.constant 0 : i32
    %scan3A_137 = arith.constant 0 : i32
    %scan3A_138 = arith.constant 128 : i32
    %scan3A_139 = arith.addi %scan3A_137, %scan3A_138 : i32
    %scan3A_140 = arith.constant 1 : i32
    scf.for %scan3A_264 = %scan3A_137 to %scan3A_139 step %scan3A_140  : i32 {
      %mul3A_265 = arith.constant 16 : i32
      %mul3A_266 = arith.muli %scan3A_264, %mul3A_265 : i32
      %add3A_267 = arith.constant 8192 : i32
      %add3A_268 = arith.addi %add3A_267, %mul3A_266 : i32
      %get3A = arith.index_cast %add3A_268 : i32 to index
      %get3A_269 = tpu.vector_load %arg8[%get3A] {strides = array<i32>} : memref<16384xi32, #tpu.memory_space<vmem>>, vector<16xi32>,
      %get3A_270 = vector.shape_cast %get3A_269 : vector<16xi32> to vector<16xi32>
      %get3A_271 = arith.index_cast %add3A_268 : i32 to index
      %get3A_272 = tpu.vector_load %arg7[%get3A_271] {strides = array<i32>} : memref<16384xi32, #tpu.memory_space<vmem>>, vector<16xi32>,
      %get3A_273 = vector.shape_cast %get3A_272 : vector<16xi32> to vector<16xi32>
      %and3A = arith.andi %get3A_270, %get3A_273 : vector<16xi32>
      %swap3A = arith.index_cast %add3A_268 : i32 to index
      %swap3A_274 = tpu.vector_load %arg8[%swap3A] {strides = array<i32>} : memref<16384xi32, #tpu.memory_space<vmem>>, vector<16xi32>,
      %swap3A_275 = vector.shape_cast %swap3A_274 : vector<16xi32> to vector<16xi32>
      %swap3A_276 = vector.shape_cast %and3A : vector<16xi32> to vector<16xi32>
      tpu.vector_store %arg8[%swap3A], %swap3A_276 {strides = array<i32>} : memref<16384xi32, #tpu.memory_space<vmem>>, vector<16xi32>,
    }
    %scan3A_141 = arith.constant 128 : i32
    %add3A_142 = arith.constant 8192 : i32
    %add3A_143 = arith.addi %mul3A_2, %add3A_142 : i32
    %dma_start3A_144 = arith.constant 8192 : i32
    %dma_start3A_145 = tpu.memref_slice %arg8[%dma_start3A_144] : memref<16384xi32, #tpu.memory_space<vmem>> -> memref<2048xi32, #tpu.memory_space<vmem>>
    %dma_start3A_146 = tpu.memref_slice %arg5[%add3A_143] : memref<524288xi32, #tpu.memory_space<hbm>> -> memref<2048xi32, #tpu.memory_space<hbm>>
    %dma_start3A_147 = tpu.memref_slice %arg5[%add3A_143] : memref<524288xi32, #tpu.memory_space<hbm>> -> memref<2048xi32, #tpu.memory_space<hbm>>
    %dma_start3A_148 = arith.constant 8192 : i32
    %dma_start3A_149 = tpu.memref_slice %arg8[%dma_start3A_148] : memref<16384xi32, #tpu.memory_space<vmem>> -> memref<2048xi32, #tpu.memory_space<vmem>>
    tpu.enqueue_dma source(%dma_start3A_149 : memref<2048xi32, #tpu.memory_space<vmem>>) target(%dma_start3A_147 : memref<2048xi32, #tpu.memory_space<hbm>>) target_semaphore(%arg14 : memref<!tpu.dma_semaphore, #tpu.memory_space<semaphore_mem>>)
    %dma_start3A_150 = arith.constant 14336 : i32
    %dma_start3A_151 = tpu.memref_slice %arg8[%dma_start3A_150] : memref<16384xi32, #tpu.memory_space<vmem>> -> memref<2048xi32, #tpu.memory_space<vmem>>
    %dma_start3A_152 = arith.constant 14336 : i32
    %dma_start3A_153 = tpu.memref_slice %arg6[%dma_start3A_152] : memref<16384xi32, #tpu.memory_space<vmem>> -> memref<2048xi32, #tpu.memory_space<vmem>>
    %dma_start3A_154 = arith.constant 0 : i32
    %dma_start3A_155 = tpu.memref_slice %arg9[%dma_start3A_154] : memref<524288xi32, #tpu.memory_space<vmem_shared>> -> memref<524288xi32, #tpu.memory_space<vmem_shared>>
    tpu.enqueue_indirect_dma source(%dma_start3A_155 : memref<524288xi32, #tpu.memory_space<vmem_shared>>) target(%dma_start3A_151 : memref<2048xi32, #tpu.memory_space<vmem>>) offsets(%dma_start3A_153 : memref<2048xi32, #tpu.memory_space<vmem>>) semaphore(%arg11 : memref<!tpu.dma_semaphore, #tpu.memory_space<semaphore_mem>>)
    %dma_wait3A_156 = arith.constant 10240 : i32
    %dma_wait3A_157 = tpu.memref_slice %arg8[%dma_wait3A_156] : memref<16384xi32, #tpu.memory_space<vmem>> -> memref<2048xi32, #tpu.memory_space<vmem>>
    %dma_wait3A_158 = arith.constant 10240 : i32
    %dma_wait3A_159 = tpu.memref_slice %arg6[%dma_wait3A_158] : memref<16384xi32, #tpu.memory_space<vmem>> -> memref<2048xi32, #tpu.memory_space<vmem>>
    %dma_wait3A_160 = arith.constant 0 : i32
    %dma_wait3A_161 = tpu.memref_slice %arg9[%dma_wait3A_160] : memref<524288xi32, #tpu.memory_space<vmem_shared>> -> memref<524288xi32, #tpu.memory_space<vmem_shared>>
    tpu.wait_indirect_dma semaphore(%arg12 : memref<!tpu.dma_semaphore, #tpu.memory_space<semaphore_mem>>) src(%dma_wait3A_161 : memref<524288xi32, #tpu.memory_space<vmem_shared>>) dst(%dma_wait3A_157 : memref<2048xi32, #tpu.memory_space<vmem>>)
    %scan3A_162 = arith.constant 0 : i32
    %scan3A_163 = arith.constant 0 : i32
    %scan3A_164 = arith.constant 128 : i32
    %scan3A_165 = arith.addi %scan3A_163, %scan3A_164 : i32
    %scan3A_166 = arith.constant 1 : i32
    scf.for %scan3A_264 = %scan3A_163 to %scan3A_165 step %scan3A_166  : i32 {
      %mul3A_265 = arith.constant 16 : i32
      %mul3A_266 = arith.muli %scan3A_264, %mul3A_265 : i32
      %add3A_267 = arith.constant 10240 : i32
      %add3A_268 = arith.addi %add3A_267, %mul3A_266 : i32
      %get3A = arith.index_cast %add3A_268 : i32 to index
      %get3A_269 = tpu.vector_load %arg8[%get3A] {strides = array<i32>} : memref<16384xi32, #tpu.memory_space<vmem>>, vector<16xi32>,
      %get3A_270 = vector.shape_cast %get3A_269 : vector<16xi32> to vector<16xi32>
      %get3A_271 = arith.index_cast %add3A_268 : i32 to index
      %get3A_272 = tpu.vector_load %arg7[%get3A_271] {strides = array<i32>} : memref<16384xi32, #tpu.memory_space<vmem>>, vector<16xi32>,
      %get3A_273 = vector.shape_cast %get3A_272 : vector<16xi32> to vector<16xi32>
      %and3A = arith.andi %get3A_270, %get3A_273 : vector<16xi32>
      %swap3A = arith.index_cast %add3A_268 : i32 to index
      %swap3A_274 = tpu.vector_load %arg8[%swap3A] {strides = array<i32>} : memref<16384xi32, #tpu.memory_space<vmem>>, vector<16xi32>,
      %swap3A_275 = vector.shape_cast %swap3A_274 : vector<16xi32> to vector<16xi32>
      %swap3A_276 = vector.shape_cast %and3A : vector<16xi32> to vector<16xi32>
      tpu.vector_store %arg8[%swap3A], %swap3A_276 {strides = array<i32>} : memref<16384xi32, #tpu.memory_space<vmem>>, vector<16xi32>,
    }
    %scan3A_167 = arith.constant 128 : i32
    %add3A_168 = arith.constant 10240 : i32
    %add3A_169 = arith.addi %mul3A_2, %add3A_168 : i32
    %dma_start3A_170 = arith.constant 10240 : i32
    %dma_start3A_171 = tpu.memref_slice %arg8[%dma_start3A_170] : memref<16384xi32, #tpu.memory_space<vmem>> -> memref<2048xi32, #tpu.memory_space<vmem>>
    %dma_start3A_172 = tpu.memref_slice %arg5[%add3A_169] : memref<524288xi32, #tpu.memory_space<hbm>> -> memref<2048xi32, #tpu.memory_space<hbm>>
    %dma_start3A_173 = tpu.memref_slice %arg5[%add3A_169] : memref<524288xi32, #tpu.memory_space<hbm>> -> memref<2048xi32, #tpu.memory_space<hbm>>
    %dma_start3A_174 = arith.constant 10240 : i32
    %dma_start3A_175 = tpu.memref_slice %arg8[%dma_start3A_174] : memref<16384xi32, #tpu.memory_space<vmem>> -> memref<2048xi32, #tpu.memory_space<vmem>>
    tpu.enqueue_dma source(%dma_start3A_175 : memref<2048xi32, #tpu.memory_space<vmem>>) target(%dma_start3A_173 : memref<2048xi32, #tpu.memory_space<hbm>>) target_semaphore(%arg14 : memref<!tpu.dma_semaphore, #tpu.memory_space<semaphore_mem>>)
    %dma_wait3A_176 = arith.constant 12288 : i32
    %dma_wait3A_177 = tpu.memref_slice %arg8[%dma_wait3A_176] : memref<16384xi32, #tpu.memory_space<vmem>> -> memref<2048xi32, #tpu.memory_space<vmem>>
    %dma_wait3A_178 = arith.constant 12288 : i32
    %dma_wait3A_179 = tpu.memref_slice %arg6[%dma_wait3A_178] : memref<16384xi32, #tpu.memory_space<vmem>> -> memref<2048xi32, #tpu.memory_space<vmem>>
    %dma_wait3A_180 = arith.constant 0 : i32
    %dma_wait3A_181 = tpu.memref_slice %arg9[%dma_wait3A_180] : memref<524288xi32, #tpu.memory_space<vmem_shared>> -> memref<524288xi32, #tpu.memory_space<vmem_shared>>
    tpu.wait_indirect_dma semaphore(%arg10 : memref<!tpu.dma_semaphore, #tpu.memory_space<semaphore_mem>>) src(%dma_wait3A_181 : memref<524288xi32, #tpu.memory_space<vmem_shared>>) dst(%dma_wait3A_177 : memref<2048xi32, #tpu.memory_space<vmem>>)
    %scan3A_182 = arith.constant 0 : i32
    %scan3A_183 = arith.constant 0 : i32
    %scan3A_184 = arith.constant 128 : i32
    %scan3A_185 = arith.addi %scan3A_183, %scan3A_184 : i32
    %scan3A_186 = arith.constant 1 : i32
    scf.for %scan3A_264 = %scan3A_183 to %scan3A_185 step %scan3A_186  : i32 {
      %mul3A_265 = arith.constant 16 : i32
      %mul3A_266 = arith.muli %scan3A_264, %mul3A_265 : i32
      %add3A_267 = arith.constant 12288 : i32
      %add3A_268 = arith.addi %add3A_267, %mul3A_266 : i32
      %get3A = arith.index_cast %add3A_268 : i32 to index
      %get3A_269 = tpu.vector_load %arg8[%get3A] {strides = array<i32>} : memref<16384xi32, #tpu.memory_space<vmem>>, vector<16xi32>,
      %get3A_270 = vector.shape_cast %get3A_269 : vector<16xi32> to vector<16xi32>
      %get3A_271 = arith.index_cast %add3A_268 : i32 to index
      %get3A_272 = tpu.vector_load %arg7[%get3A_271] {strides = array<i32>} : memref<16384xi32, #tpu.memory_space<vmem>>, vector<16xi32>,
      %get3A_273 = vector.shape_cast %get3A_272 : vector<16xi32> to vector<16xi32>
      %and3A = arith.andi %get3A_270, %get3A_273 : vector<16xi32>
      %swap3A = arith.index_cast %add3A_268 : i32 to index
      %swap3A_274 = tpu.vector_load %arg8[%swap3A] {strides = array<i32>} : memref<16384xi32, #tpu.memory_space<vmem>>, vector<16xi32>,
      %swap3A_275 = vector.shape_cast %swap3A_274 : vector<16xi32> to vector<16xi32>
      %swap3A_276 = vector.shape_cast %and3A : vector<16xi32> to vector<16xi32>
      tpu.vector_store %arg8[%swap3A], %swap3A_276 {strides = array<i32>} : memref<16384xi32, #tpu.memory_space<vmem>>, vector<16xi32>,
    }
    %scan3A_187 = arith.constant 128 : i32
    %add3A_188 = arith.constant 12288 : i32
    %add3A_189 = arith.addi %mul3A_2, %add3A_188 : i32
    %dma_start3A_190 = arith.constant 12288 : i32
    %dma_start3A_191 = tpu.memref_slice %arg8[%dma_start3A_190] : memref<16384xi32, #tpu.memory_space<vmem>> -> memref<2048xi32, #tpu.memory_space<vmem>>
    %dma_start3A_192 = tpu.memref_slice %arg5[%add3A_189] : memref<524288xi32, #tpu.memory_space<hbm>> -> memref<2048xi32, #tpu.memory_space<hbm>>
    %dma_start3A_193 = tpu.memref_slice %arg5[%add3A_189] : memref<524288xi32, #tpu.memory_space<hbm>> -> memref<2048xi32, #tpu.memory_space<hbm>>
    %dma_start3A_194 = arith.constant 12288 : i32
    %dma_start3A_195 = tpu.memref_slice %arg8[%dma_start3A_194] : memref<16384xi32, #tpu.memory_space<vmem>> -> memref<2048xi32, #tpu.memory_space<vmem>>
    tpu.enqueue_dma source(%dma_start3A_195 : memref<2048xi32, #tpu.memory_space<vmem>>) target(%dma_start3A_193 : memref<2048xi32, #tpu.memory_space<hbm>>) target_semaphore(%arg14 : memref<!tpu.dma_semaphore, #tpu.memory_space<semaphore_mem>>)
    %dma_wait3A_196 = arith.constant 14336 : i32
    %dma_wait3A_197 = tpu.memref_slice %arg8[%dma_wait3A_196] : memref<16384xi32, #tpu.memory_space<vmem>> -> memref<2048xi32, #tpu.memory_space<vmem>>
    %dma_wait3A_198 = arith.constant 14336 : i32
    %dma_wait3A_199 = tpu.memref_slice %arg6[%dma_wait3A_198] : memref<16384xi32, #tpu.memory_space<vmem>> -> memref<2048xi32, #tpu.memory_space<vmem>>
    %dma_wait3A_200 = arith.constant 0 : i32
    %dma_wait3A_201 = tpu.memref_slice %arg9[%dma_wait3A_200] : memref<524288xi32, #tpu.memory_space<vmem_shared>> -> memref<524288xi32, #tpu.memory_space<vmem_shared>>
    tpu.wait_indirect_dma semaphore(%arg11 : memref<!tpu.dma_semaphore, #tpu.memory_space<semaphore_mem>>) src(%dma_wait3A_201 : memref<524288xi32, #tpu.memory_space<vmem_shared>>) dst(%dma_wait3A_197 : memref<2048xi32, #tpu.memory_space<vmem>>)
    %scan3A_202 = arith.constant 0 : i32
    %scan3A_203 = arith.constant 0 : i32
    %scan3A_204 = arith.constant 128 : i32
    %scan3A_205 = arith.addi %scan3A_203, %scan3A_204 : i32
    %scan3A_206 = arith.constant 1 : i32
    scf.for %scan3A_264 = %scan3A_203 to %scan3A_205 step %scan3A_206  : i32 {
      %mul3A_265 = arith.constant 16 : i32
      %mul3A_266 = arith.muli %scan3A_264, %mul3A_265 : i32
      %add3A_267 = arith.constant 14336 : i32
      %add3A_268 = arith.addi %add3A_267, %mul3A_266 : i32
      %get3A = arith.index_cast %add3A_268 : i32 to index
      %get3A_269 = tpu.vector_load %arg8[%get3A] {strides = array<i32>} : memref<16384xi32, #tpu.memory_space<vmem>>, vector<16xi32>,
      %get3A_270 = vector.shape_cast %get3A_269 : vector<16xi32> to vector<16xi32>
      %get3A_271 = arith.index_cast %add3A_268 : i32 to index
      %get3A_272 = tpu.vector_load %arg7[%get3A_271] {strides = array<i32>} : memref<16384xi32, #tpu.memory_space<vmem>>, vector<16xi32>,
      %get3A_273 = vector.shape_cast %get3A_272 : vector<16xi32> to vector<16xi32>
      %and3A = arith.andi %get3A_270, %get3A_273 : vector<16xi32>
      %swap3A = arith.index_cast %add3A_268 : i32 to index
      %swap3A_274 = tpu.vector_load %arg8[%swap3A] {strides = array<i32>} : memref<16384xi32, #tpu.memory_space<vmem>>, vector<16xi32>,
      %swap3A_275 = vector.shape_cast %swap3A_274 : vector<16xi32> to vector<16xi32>
      %swap3A_276 = vector.shape_cast %and3A : vector<16xi32> to vector<16xi32>
      tpu.vector_store %arg8[%swap3A], %swap3A_276 {strides = array<i32>} : memref<16384xi32, #tpu.memory_space<vmem>>, vector<16xi32>,
    }
    %scan3A_207 = arith.constant 128 : i32
    %add3A_208 = arith.constant 14336 : i32
    %add3A_209 = arith.addi %mul3A_2, %add3A_208 : i32
    %dma_start3A_210 = arith.constant 14336 : i32
    %dma_start3A_211 = tpu.memref_slice %arg8[%dma_start3A_210] : memref<16384xi32, #tpu.memory_space<vmem>> -> memref<2048xi32, #tpu.memory_space<vmem>>
    %dma_start3A_212 = tpu.memref_slice %arg5[%add3A_209] : memref<524288xi32, #tpu.memory_space<hbm>> -> memref<2048xi32, #tpu.memory_space<hbm>>
    %dma_start3A_213 = tpu.memref_slice %arg5[%add3A_209] : memref<524288xi32, #tpu.memory_space<hbm>> -> memref<2048xi32, #tpu.memory_space<hbm>>
    %dma_start3A_214 = arith.constant 14336 : i32
    %dma_start3A_215 = tpu.memref_slice %arg8[%dma_start3A_214] : memref<16384xi32, #tpu.memory_space<vmem>> -> memref<2048xi32, #tpu.memory_space<vmem>>
    tpu.enqueue_dma source(%dma_start3A_215 : memref<2048xi32, #tpu.memory_space<vmem>>) target(%dma_start3A_213 : memref<2048xi32, #tpu.memory_space<hbm>>) target_semaphore(%arg14 : memref<!tpu.dma_semaphore, #tpu.memory_space<semaphore_mem>>)
    %dma_wait3A_216 = arith.constant 0 : i32
    %dma_wait3A_217 = tpu.memref_slice %arg8[%dma_wait3A_216] : memref<16384xi32, #tpu.memory_space<vmem>> -> memref<2048xi32, #tpu.memory_space<vmem>>
    %dma_wait3A_218 = tpu.memref_slice %arg5[%add3A_39] : memref<524288xi32, #tpu.memory_space<hbm>> -> memref<2048xi32, #tpu.memory_space<hbm>>
    %dma_wait3A_219 = tpu.memref_slice %arg5[%add3A_39] : memref<524288xi32, #tpu.memory_space<hbm>> -> memref<2048xi32, #tpu.memory_space<hbm>>
    %dma_wait3A_220 = arith.constant 0 : i32
    %dma_wait3A_221 = tpu.memref_slice %arg8[%dma_wait3A_220] : memref<16384xi32, #tpu.memory_space<vmem>> -> memref<2048xi32, #tpu.memory_space<vmem>>
    tpu.wait_dma2 semaphore(%arg14 : memref<!tpu.dma_semaphore, #tpu.memory_space<semaphore_mem>>) src(%dma_wait3A_221 : memref<2048xi32, #tpu.memory_space<vmem>>) dst(%dma_wait3A_219 : memref<2048xi32, #tpu.memory_space<hbm>>)
    %dma_wait3A_222 = arith.constant 2048 : i32
    %dma_wait3A_223 = tpu.memref_slice %arg8[%dma_wait3A_222] : memref<16384xi32, #tpu.memory_space<vmem>> -> memref<2048xi32, #tpu.memory_space<vmem>>
    %dma_wait3A_224 = tpu.memref_slice %arg5[%add3A_65] : memref<524288xi32, #tpu.memory_space<hbm>> -> memref<2048xi32, #tpu.memory_space<hbm>>
    %dma_wait3A_225 = tpu.memref_slice %arg5[%add3A_65] : memref<524288xi32, #tpu.memory_space<hbm>> -> memref<2048xi32, #tpu.memory_space<hbm>>
    %dma_wait3A_226 = arith.constant 2048 : i32
    %dma_wait3A_227 = tpu.memref_slice %arg8[%dma_wait3A_226] : memref<16384xi32, #tpu.memory_space<vmem>> -> memref<2048xi32, #tpu.memory_space<vmem>>
    tpu.wait_dma2 semaphore(%arg14 : memref<!tpu.dma_semaphore, #tpu.memory_space<semaphore_mem>>) src(%dma_wait3A_227 : memref<2048xi32, #tpu.memory_space<vmem>>) dst(%dma_wait3A_225 : memref<2048xi32, #tpu.memory_space<hbm>>)
    %dma_wait3A_228 = arith.constant 4096 : i32
    %dma_wait3A_229 = tpu.memref_slice %arg8[%dma_wait3A_228] : memref<16384xi32, #tpu.memory_space<vmem>> -> memref<2048xi32, #tpu.memory_space<vmem>>
    %dma_wait3A_230 = tpu.memref_slice %arg5[%add3A_91] : memref<524288xi32, #tpu.memory_space<hbm>> -> memref<2048xi32, #tpu.memory_space<hbm>>
    %dma_wait3A_231 = tpu.memref_slice %arg5[%add3A_91] : memref<524288xi32, #tpu.memory_space<hbm>> -> memref<2048xi32, #tpu.memory_space<hbm>>
    %dma_wait3A_232 = arith.constant 4096 : i32
    %dma_wait3A_233 = tpu.memref_slice %arg8[%dma_wait3A_232] : memref<16384xi32, #tpu.memory_space<vmem>> -> memref<2048xi32, #tpu.memory_space<vmem>>
    tpu.wait_dma2 semaphore(%arg14 : memref<!tpu.dma_semaphore, #tpu.memory_space<semaphore_mem>>) src(%dma_wait3A_233 : memref<2048xi32, #tpu.memory_space<vmem>>) dst(%dma_wait3A_231 : memref<2048xi32, #tpu.memory_space<hbm>>)
    %dma_wait3A_234 = arith.constant 6144 : i32
    %dma_wait3A_235 = tpu.memref_slice %arg8[%dma_wait3A_234] : memref<16384xi32, #tpu.memory_space<vmem>> -> memref<2048xi32, #tpu.memory_space<vmem>>
    %dma_wait3A_236 = tpu.memref_slice %arg5[%add3A_117] : memref<524288xi32, #tpu.memory_space<hbm>> -> memref<2048xi32, #tpu.memory_space<hbm>>
    %dma_wait3A_237 = tpu.memref_slice %arg5[%add3A_117] : memref<524288xi32, #tpu.memory_space<hbm>> -> memref<2048xi32, #tpu.memory_space<hbm>>
    %dma_wait3A_238 = arith.constant 6144 : i32
    %dma_wait3A_239 = tpu.memref_slice %arg8[%dma_wait3A_238] : memref<16384xi32, #tpu.memory_space<vmem>> -> memref<2048xi32, #tpu.memory_space<vmem>>
    tpu.wait_dma2 semaphore(%arg14 : memref<!tpu.dma_semaphore, #tpu.memory_space<semaphore_mem>>) src(%dma_wait3A_239 : memref<2048xi32, #tpu.memory_space<vmem>>) dst(%dma_wait3A_237 : memref<2048xi32, #tpu.memory_space<hbm>>)
    %dma_wait3A_240 = arith.constant 8192 : i32
    %dma_wait3A_241 = tpu.memref_slice %arg8[%dma_wait3A_240] : memref<16384xi32, #tpu.memory_space<vmem>> -> memref<2048xi32, #tpu.memory_space<vmem>>
    %dma_wait3A_242 = tpu.memref_slice %arg5[%add3A_143] : memref<524288xi32, #tpu.memory_space<hbm>> -> memref<2048xi32, #tpu.memory_space<hbm>>
    %dma_wait3A_243 = tpu.memref_slice %arg5[%add3A_143] : memref<524288xi32, #tpu.memory_space<hbm>> -> memref<2048xi32, #tpu.memory_space<hbm>>
    %dma_wait3A_244 = arith.constant 8192 : i32
    %dma_wait3A_245 = tpu.memref_slice %arg8[%dma_wait3A_244] : memref<16384xi32, #tpu.memory_space<vmem>> -> memref<2048xi32, #tpu.memory_space<vmem>>
    tpu.wait_dma2 semaphore(%arg14 : memref<!tpu.dma_semaphore, #tpu.memory_space<semaphore_mem>>) src(%dma_wait3A_245 : memref<2048xi32, #tpu.memory_space<vmem>>) dst(%dma_wait3A_243 : memref<2048xi32, #tpu.memory_space<hbm>>)
    %dma_wait3A_246 = arith.constant 10240 : i32
    %dma_wait3A_247 = tpu.memref_slice %arg8[%dma_wait3A_246] : memref<16384xi32, #tpu.memory_space<vmem>> -> memref<2048xi32, #tpu.memory_space<vmem>>
    %dma_wait3A_248 = tpu.memref_slice %arg5[%add3A_169] : memref<524288xi32, #tpu.memory_space<hbm>> -> memref<2048xi32, #tpu.memory_space<hbm>>
    %dma_wait3A_249 = tpu.memref_slice %arg5[%add3A_169] : memref<524288xi32, #tpu.memory_space<hbm>> -> memref<2048xi32, #tpu.memory_space<hbm>>
    %dma_wait3A_250 = arith.constant 10240 : i32
    %dma_wait3A_251 = tpu.memref_slice %arg8[%dma_wait3A_250] : memref<16384xi32, #tpu.memory_space<vmem>> -> memref<2048xi32, #tpu.memory_space<vmem>>
    tpu.wait_dma2 semaphore(%arg14 : memref<!tpu.dma_semaphore, #tpu.memory_space<semaphore_mem>>) src(%dma_wait3A_251 : memref<2048xi32, #tpu.memory_space<vmem>>) dst(%dma_wait3A_249 : memref<2048xi32, #tpu.memory_space<hbm>>)
    %dma_wait3A_252 = arith.constant 12288 : i32
    %dma_wait3A_253 = tpu.memref_slice %arg8[%dma_wait3A_252] : memref<16384xi32, #tpu.memory_space<vmem>> -> memref<2048xi32, #tpu.memory_space<vmem>>
    %dma_wait3A_254 = tpu.memref_slice %arg5[%add3A_189] : memref<524288xi32, #tpu.memory_space<hbm>> -> memref<2048xi32, #tpu.memory_space<hbm>>
    %dma_wait3A_255 = tpu.memref_slice %arg5[%add3A_189] : memref<524288xi32, #tpu.memory_space<hbm>> -> memref<2048xi32, #tpu.memory_space<hbm>>
    %dma_wait3A_256 = arith.constant 12288 : i32
    %dma_wait3A_257 = tpu.memref_slice %arg8[%dma_wait3A_256] : memref<16384xi32, #tpu.memory_space<vmem>> -> memref<2048xi32, #tpu.memory_space<vmem>>
    tpu.wait_dma2 semaphore(%arg14 : memref<!tpu.dma_semaphore, #tpu.memory_space<semaphore_mem>>) src(%dma_wait3A_257 : memref<2048xi32, #tpu.memory_space<vmem>>) dst(%dma_wait3A_255 : memref<2048xi32, #tpu.memory_space<hbm>>)
    %dma_wait3A_258 = arith.constant 14336 : i32
    %dma_wait3A_259 = tpu.memref_slice %arg8[%dma_wait3A_258] : memref<16384xi32, #tpu.memory_space<vmem>> -> memref<2048xi32, #tpu.memory_space<vmem>>
    %dma_wait3A_260 = tpu.memref_slice %arg5[%add3A_209] : memref<524288xi32, #tpu.memory_space<hbm>> -> memref<2048xi32, #tpu.memory_space<hbm>>
    %dma_wait3A_261 = tpu.memref_slice %arg5[%add3A_209] : memref<524288xi32, #tpu.memory_space<hbm>> -> memref<2048xi32, #tpu.memory_space<hbm>>
    %dma_wait3A_262 = arith.constant 14336 : i32
    %dma_wait3A_263 = tpu.memref_slice %arg8[%dma_wait3A_262] : memref<16384xi32, #tpu.memory_space<vmem>> -> memref<2048xi32, #tpu.memory_space<vmem>>
    tpu.wait_dma2 semaphore(%arg14 : memref<!tpu.dma_semaphore, #tpu.memory_space<semaphore_mem>>) src(%dma_wait3A_263 : memref<2048xi32, #tpu.memory_space<vmem>>) dst(%dma_wait3A_261 : memref<2048xi32, #tpu.memory_space<hbm>>)
    return
  }
}

module attributes {stable_mosaic.version = 14 : i64} {
  func.func @_index_body(%arg0: i32, %arg1: memref<3x512x128xf32, #tpu.memory_space<vmem>>, %arg2: memref<3x512x128xf32, #tpu.memory_space<vmem>>, %arg3: memref<512x128xi32, #tpu.memory_space<vmem>>, %arg4: memref<512x128xi32, #tpu.memory_space<vmem>>) attributes {dimension_semantics = [#tpu.dimension_semantics<arbitrary>], iteration_bounds = array<i64: 8>, scalar_prefetch = 0 : i64, scratch_operands = 0 : i64, tpu.core_type = #tpu.core_type<tc>, window_params = [{transform_indices = @transform_0, window_bounds = array<i64: 3, 512, 128>}, {transform_indices = @transform_1, window_bounds = array<i64: 3, 512, 128>}, {transform_indices = @transform_2, window_bounds = array<i64: 512, 128>}, {transform_indices = @transform_3, window_bounds = array<i64: 512, 128>}]} {
    %get3A = arith.constant 0 : index
    %get3A_0 = arith.constant 0 : index
    %get3A_1 = arith.constant 0 : index
    %get3A_2 = vector.load %arg2[%get3A, %get3A_0, %get3A_1] : memref<3x512x128xf32, #tpu.memory_space<vmem>>, vector<1x512x128xf32>
    %get3A_3 = vector.shape_cast %get3A_2 : vector<1x512x128xf32> to vector<512x128xf32>
    %get3A_4 = arith.constant 1 : index
    %get3A_5 = arith.constant 0 : index
    %get3A_6 = arith.constant 0 : index
    %get3A_7 = vector.load %arg2[%get3A_4, %get3A_5, %get3A_6] : memref<3x512x128xf32, #tpu.memory_space<vmem>>, vector<1x512x128xf32>
    %get3A_8 = vector.shape_cast %get3A_7 : vector<1x512x128xf32> to vector<512x128xf32>
    %get3A_9 = arith.constant 2 : index
    %get3A_10 = arith.constant 0 : index
    %get3A_11 = arith.constant 0 : index
    %get3A_12 = vector.load %arg2[%get3A_9, %get3A_10, %get3A_11] : memref<3x512x128xf32, #tpu.memory_space<vmem>>, vector<1x512x128xf32>
    %get3A_13 = vector.shape_cast %get3A_12 : vector<1x512x128xf32> to vector<512x128xf32>
    %abs3A = math.absf %get3A_3 : vector<512x128xf32>
    %abs3A_14 = math.absf %get3A_8 : vector<512x128xf32>
    %max3A = arith.maximumf %abs3A, %abs3A_14 : vector<512x128xf32>
    %abs3A_15 = math.absf %get3A_13 : vector<512x128xf32>
    %max3A_16 = arith.maximumf %max3A, %abs3A_15 : vector<512x128xf32>
    %div3A = arith.divf %get3A_3, %max3A_16 : vector<512x128xf32>
    %div3A_17 = arith.divf %get3A_8, %max3A_16 : vector<512x128xf32>
    %div3A_18 = arith.divf %get3A_13, %max3A_16 : vector<512x128xf32>
    %ge3A = arith.constant 1.000000e+00 : f32
    %ge3A_19 = vector.broadcast %ge3A : f32 to vector<512x128xf32>
    %ge3A_20 = arith.cmpf oge, %div3A, %ge3A_19 : vector<512x128xf32>
    %neg3A = arith.constant 0.000000e+00 : f32
    %neg3A_21 = arith.constant 1.000000e+00 : f32
    %neg3A_22 = arith.subf %neg3A, %neg3A_21 : f32
    %le3A = vector.broadcast %neg3A_22 : f32 to vector<512x128xf32>
    %le3A_23 = arith.cmpf ole, %div3A, %le3A : vector<512x128xf32>
    %ge3A_24 = arith.constant 1.000000e+00 : f32
    %ge3A_25 = vector.broadcast %ge3A_24 : f32 to vector<512x128xf32>
    %ge3A_26 = arith.cmpf oge, %div3A_17, %ge3A_25 : vector<512x128xf32>
    %neg3A_27 = arith.constant 0.000000e+00 : f32
    %neg3A_28 = arith.constant 1.000000e+00 : f32
    %neg3A_29 = arith.subf %neg3A_27, %neg3A_28 : f32
    %le3A_30 = vector.broadcast %neg3A_29 : f32 to vector<512x128xf32>
    %le3A_31 = arith.cmpf ole, %div3A_17, %le3A_30 : vector<512x128xf32>
    %ge3A_32 = arith.constant 1.000000e+00 : f32
    %ge3A_33 = vector.broadcast %ge3A_32 : f32 to vector<512x128xf32>
    %ge3A_34 = arith.cmpf oge, %div3A_18, %ge3A_33 : vector<512x128xf32>
    %neg3A_35 = arith.constant 0.000000e+00 : f32
    %neg3A_36 = arith.constant 1.000000e+00 : f32
    %neg3A_37 = arith.subf %neg3A_35, %neg3A_36 : f32
    %le3A_38 = vector.broadcast %neg3A_37 : f32 to vector<512x128xf32>
    %le3A_39 = arith.cmpf ole, %div3A_18, %le3A_38 : vector<512x128xf32>
    %broadcast_in_dim3A = arith.constant 0 : i32
    %broadcast_in_dim3A_40 = vector.broadcast %broadcast_in_dim3A : i32 to vector<512x128xi32>
    %jit3A = arith.constant 0 : i32
    %broadcast_in_dim3A_41 = vector.broadcast %jit3A : i32 to vector<512x128xi32>
    %select_n3A = arith.select %ge3A_20, %broadcast_in_dim3A_41, %broadcast_in_dim3A_40 : vector<512x128xi1>, vector<512x128xi32>
    %jit3A_42 = arith.constant 1 : i32
    %broadcast_in_dim3A_43 = vector.broadcast %jit3A_42 : i32 to vector<512x128xi32>
    %select_n3A_44 = arith.select %le3A_23, %broadcast_in_dim3A_43, %select_n3A : vector<512x128xi1>, vector<512x128xi32>
    %jit3A_45 = arith.constant 2 : i32
    %broadcast_in_dim3A_46 = vector.broadcast %jit3A_45 : i32 to vector<512x128xi32>
    %select_n3A_47 = arith.select %ge3A_26, %broadcast_in_dim3A_46, %select_n3A_44 : vector<512x128xi1>, vector<512x128xi32>
    %jit3A_48 = arith.constant 3 : i32
    %broadcast_in_dim3A_49 = vector.broadcast %jit3A_48 : i32 to vector<512x128xi32>
    %select_n3A_50 = arith.select %le3A_31, %broadcast_in_dim3A_49, %select_n3A_47 : vector<512x128xi1>, vector<512x128xi32>
    %jit3A_51 = arith.constant 4 : i32
    %broadcast_in_dim3A_52 = vector.broadcast %jit3A_51 : i32 to vector<512x128xi32>
    %select_n3A_53 = arith.select %ge3A_34, %broadcast_in_dim3A_52, %select_n3A_50 : vector<512x128xi1>, vector<512x128xi32>
    %jit3A_54 = arith.constant 5 : i32
    %broadcast_in_dim3A_55 = vector.broadcast %jit3A_54 : i32 to vector<512x128xi32>
    %select_n3A_56 = arith.select %le3A_39, %broadcast_in_dim3A_55, %select_n3A_53 : vector<512x128xi1>, vector<512x128xi32>
    %get3A_57 = arith.constant 0 : index
    %get3A_58 = arith.constant 0 : index
    %get3A_59 = arith.constant 0 : index
    %get3A_60 = vector.load %arg1[%get3A_57, %get3A_58, %get3A_59] : memref<3x512x128xf32, #tpu.memory_space<vmem>>, vector<1x512x128xf32>
    %get3A_61 = vector.shape_cast %get3A_60 : vector<1x512x128xf32> to vector<512x128xf32>
    %div3A_62 = arith.constant 2.000000e+00 : f32
    %div3A_63 = vector.broadcast %div3A_62 : f32 to vector<512x128xf32>
    %div3A_64 = arith.divf %get3A_61, %div3A_63 : vector<512x128xf32>
    %add3A = arith.constant 5.000000e-01 : f32
    %add3A_65 = vector.broadcast %add3A : f32 to vector<512x128xf32>
    %add3A_66 = arith.addf %div3A_64, %add3A_65 : vector<512x128xf32>
    %mul3A = arith.constant 1.280000e+02 : f32
    %mul3A_67 = vector.broadcast %mul3A : f32 to vector<512x128xf32>
    %mul3A_68 = arith.mulf %add3A_66, %mul3A_67 : vector<512x128xf32>
    %jit3A_69 = arith.constant 0.000000e+00 : f32
    %jit3A_70 = arith.constant 1.270000e+02 : f32
    %max3A_71 = vector.broadcast %jit3A_69 : f32 to vector<512x128xf32>
    %max3A_72 = arith.maximumf %max3A_71, %mul3A_68 : vector<512x128xf32>
    %min3A = vector.broadcast %jit3A_70 : f32 to vector<512x128xf32>
    %min3A_73 = arith.minimumf %min3A, %max3A_72 : vector<512x128xf32>
    %floor3A = math.floor %min3A_73 : vector<512x128xf32>
    %convert_element_type3A = arith.fptosi %floor3A : vector<512x128xf32> to vector<512x128xi32>
    %and3A = arith.constant 1023 : i32
    %and3A_74 = vector.broadcast %and3A : i32 to vector<512x128xi32>
    %and3A_75 = arith.andi %convert_element_type3A, %and3A_74 : vector<512x128xi32>
    %shift_left3A = arith.constant 16 : i32
    %shift_left3A_76 = vector.broadcast %shift_left3A : i32 to vector<512x128xi32>
    %shift_left3A_77 = arith.shli %and3A_75, %shift_left3A_76 : vector<512x128xi32>
    %or3A = arith.ori %and3A_75, %shift_left3A_77 : vector<512x128xi32>
    %and3A_78 = arith.constant 50331903 : i32
    %and3A_79 = vector.broadcast %and3A_78 : i32 to vector<512x128xi32>
    %and3A_80 = arith.andi %or3A, %and3A_79 : vector<512x128xi32>
    %shift_left3A_81 = arith.constant 8 : i32
    %shift_left3A_82 = vector.broadcast %shift_left3A_81 : i32 to vector<512x128xi32>
    %shift_left3A_83 = arith.shli %and3A_80, %shift_left3A_82 : vector<512x128xi32>
    %or3A_84 = arith.ori %and3A_80, %shift_left3A_83 : vector<512x128xi32>
    %and3A_85 = arith.constant 50393103 : i32
    %and3A_86 = vector.broadcast %and3A_85 : i32 to vector<512x128xi32>
    %and3A_87 = arith.andi %or3A_84, %and3A_86 : vector<512x128xi32>
    %shift_left3A_88 = arith.constant 4 : i32
    %shift_left3A_89 = vector.broadcast %shift_left3A_88 : i32 to vector<512x128xi32>
    %shift_left3A_90 = arith.shli %and3A_87, %shift_left3A_89 : vector<512x128xi32>
    %or3A_91 = arith.ori %and3A_87, %shift_left3A_90 : vector<512x128xi32>
    %and3A_92 = arith.constant 51130563 : i32
    %and3A_93 = vector.broadcast %and3A_92 : i32 to vector<512x128xi32>
    %and3A_94 = arith.andi %or3A_91, %and3A_93 : vector<512x128xi32>
    %shift_left3A_95 = arith.constant 2 : i32
    %shift_left3A_96 = vector.broadcast %shift_left3A_95 : i32 to vector<512x128xi32>
    %shift_left3A_97 = arith.shli %and3A_94, %shift_left3A_96 : vector<512x128xi32>
    %or3A_98 = arith.ori %and3A_94, %shift_left3A_97 : vector<512x128xi32>
    %and3A_99 = arith.constant 153391689 : i32
    %and3A_100 = vector.broadcast %and3A_99 : i32 to vector<512x128xi32>
    %and3A_101 = arith.andi %or3A_98, %and3A_100 : vector<512x128xi32>
    %get3A_102 = arith.constant 1 : index
    %get3A_103 = arith.constant 0 : index
    %get3A_104 = arith.constant 0 : index
    %get3A_105 = vector.load %arg1[%get3A_102, %get3A_103, %get3A_104] : memref<3x512x128xf32, #tpu.memory_space<vmem>>, vector<1x512x128xf32>
    %get3A_106 = vector.shape_cast %get3A_105 : vector<1x512x128xf32> to vector<512x128xf32>
    %div3A_107 = arith.constant 2.000000e+00 : f32
    %div3A_108 = vector.broadcast %div3A_107 : f32 to vector<512x128xf32>
    %div3A_109 = arith.divf %get3A_106, %div3A_108 : vector<512x128xf32>
    %add3A_110 = arith.constant 5.000000e-01 : f32
    %add3A_111 = vector.broadcast %add3A_110 : f32 to vector<512x128xf32>
    %add3A_112 = arith.addf %div3A_109, %add3A_111 : vector<512x128xf32>
    %mul3A_113 = arith.constant 1.280000e+02 : f32
    %mul3A_114 = vector.broadcast %mul3A_113 : f32 to vector<512x128xf32>
    %mul3A_115 = arith.mulf %add3A_112, %mul3A_114 : vector<512x128xf32>
    %jit3A_116 = arith.constant 0.000000e+00 : f32
    %jit3A_117 = arith.constant 1.270000e+02 : f32
    %max3A_118 = vector.broadcast %jit3A_116 : f32 to vector<512x128xf32>
    %max3A_119 = arith.maximumf %max3A_118, %mul3A_115 : vector<512x128xf32>
    %min3A_120 = vector.broadcast %jit3A_117 : f32 to vector<512x128xf32>
    %min3A_121 = arith.minimumf %min3A_120, %max3A_119 : vector<512x128xf32>
    %floor3A_122 = math.floor %min3A_121 : vector<512x128xf32>
    %convert_element_type3A_123 = arith.fptosi %floor3A_122 : vector<512x128xf32> to vector<512x128xi32>
    %and3A_124 = arith.constant 1023 : i32
    %and3A_125 = vector.broadcast %and3A_124 : i32 to vector<512x128xi32>
    %and3A_126 = arith.andi %convert_element_type3A_123, %and3A_125 : vector<512x128xi32>
    %shift_left3A_127 = arith.constant 16 : i32
    %shift_left3A_128 = vector.broadcast %shift_left3A_127 : i32 to vector<512x128xi32>
    %shift_left3A_129 = arith.shli %and3A_126, %shift_left3A_128 : vector<512x128xi32>
    %or3A_130 = arith.ori %and3A_126, %shift_left3A_129 : vector<512x128xi32>
    %and3A_131 = arith.constant 50331903 : i32
    %and3A_132 = vector.broadcast %and3A_131 : i32 to vector<512x128xi32>
    %and3A_133 = arith.andi %or3A_130, %and3A_132 : vector<512x128xi32>
    %shift_left3A_134 = arith.constant 8 : i32
    %shift_left3A_135 = vector.broadcast %shift_left3A_134 : i32 to vector<512x128xi32>
    %shift_left3A_136 = arith.shli %and3A_133, %shift_left3A_135 : vector<512x128xi32>
    %or3A_137 = arith.ori %and3A_133, %shift_left3A_136 : vector<512x128xi32>
    %and3A_138 = arith.constant 50393103 : i32
    %and3A_139 = vector.broadcast %and3A_138 : i32 to vector<512x128xi32>
    %and3A_140 = arith.andi %or3A_137, %and3A_139 : vector<512x128xi32>
    %shift_left3A_141 = arith.constant 4 : i32
    %shift_left3A_142 = vector.broadcast %shift_left3A_141 : i32 to vector<512x128xi32>
    %shift_left3A_143 = arith.shli %and3A_140, %shift_left3A_142 : vector<512x128xi32>
    %or3A_144 = arith.ori %and3A_140, %shift_left3A_143 : vector<512x128xi32>
    %and3A_145 = arith.constant 51130563 : i32
    %and3A_146 = vector.broadcast %and3A_145 : i32 to vector<512x128xi32>
    %and3A_147 = arith.andi %or3A_144, %and3A_146 : vector<512x128xi32>
    %shift_left3A_148 = arith.constant 2 : i32
    %shift_left3A_149 = vector.broadcast %shift_left3A_148 : i32 to vector<512x128xi32>
    %shift_left3A_150 = arith.shli %and3A_147, %shift_left3A_149 : vector<512x128xi32>
    %or3A_151 = arith.ori %and3A_147, %shift_left3A_150 : vector<512x128xi32>
    %and3A_152 = arith.constant 153391689 : i32
    %and3A_153 = vector.broadcast %and3A_152 : i32 to vector<512x128xi32>
    %and3A_154 = arith.andi %or3A_151, %and3A_153 : vector<512x128xi32>
    %shift_left3A_155 = arith.constant 1 : i32
    %shift_left3A_156 = vector.broadcast %shift_left3A_155 : i32 to vector<512x128xi32>
    %shift_left3A_157 = arith.shli %and3A_154, %shift_left3A_156 : vector<512x128xi32>
    %or3A_158 = arith.ori %and3A_101, %shift_left3A_157 : vector<512x128xi32>
    %get3A_159 = arith.constant 2 : index
    %get3A_160 = arith.constant 0 : index
    %get3A_161 = arith.constant 0 : index
    %get3A_162 = vector.load %arg1[%get3A_159, %get3A_160, %get3A_161] : memref<3x512x128xf32, #tpu.memory_space<vmem>>, vector<1x512x128xf32>
    %get3A_163 = vector.shape_cast %get3A_162 : vector<1x512x128xf32> to vector<512x128xf32>
    %div3A_164 = arith.constant 2.000000e+00 : f32
    %div3A_165 = vector.broadcast %div3A_164 : f32 to vector<512x128xf32>
    %div3A_166 = arith.divf %get3A_163, %div3A_165 : vector<512x128xf32>
    %add3A_167 = arith.constant 5.000000e-01 : f32
    %add3A_168 = vector.broadcast %add3A_167 : f32 to vector<512x128xf32>
    %add3A_169 = arith.addf %div3A_166, %add3A_168 : vector<512x128xf32>
    %mul3A_170 = arith.constant 1.280000e+02 : f32
    %mul3A_171 = vector.broadcast %mul3A_170 : f32 to vector<512x128xf32>
    %mul3A_172 = arith.mulf %add3A_169, %mul3A_171 : vector<512x128xf32>
    %jit3A_173 = arith.constant 0.000000e+00 : f32
    %jit3A_174 = arith.constant 1.270000e+02 : f32
    %max3A_175 = vector.broadcast %jit3A_173 : f32 to vector<512x128xf32>
    %max3A_176 = arith.maximumf %max3A_175, %mul3A_172 : vector<512x128xf32>
    %min3A_177 = vector.broadcast %jit3A_174 : f32 to vector<512x128xf32>
    %min3A_178 = arith.minimumf %min3A_177, %max3A_176 : vector<512x128xf32>
    %floor3A_179 = math.floor %min3A_178 : vector<512x128xf32>
    %convert_element_type3A_180 = arith.fptosi %floor3A_179 : vector<512x128xf32> to vector<512x128xi32>
    %and3A_181 = arith.constant 1023 : i32
    %and3A_182 = vector.broadcast %and3A_181 : i32 to vector<512x128xi32>
    %and3A_183 = arith.andi %convert_element_type3A_180, %and3A_182 : vector<512x128xi32>
    %shift_left3A_184 = arith.constant 16 : i32
    %shift_left3A_185 = vector.broadcast %shift_left3A_184 : i32 to vector<512x128xi32>
    %shift_left3A_186 = arith.shli %and3A_183, %shift_left3A_185 : vector<512x128xi32>
    %or3A_187 = arith.ori %and3A_183, %shift_left3A_186 : vector<512x128xi32>
    %and3A_188 = arith.constant 50331903 : i32
    %and3A_189 = vector.broadcast %and3A_188 : i32 to vector<512x128xi32>
    %and3A_190 = arith.andi %or3A_187, %and3A_189 : vector<512x128xi32>
    %shift_left3A_191 = arith.constant 8 : i32
    %shift_left3A_192 = vector.broadcast %shift_left3A_191 : i32 to vector<512x128xi32>
    %shift_left3A_193 = arith.shli %and3A_190, %shift_left3A_192 : vector<512x128xi32>
    %or3A_194 = arith.ori %and3A_190, %shift_left3A_193 : vector<512x128xi32>
    %and3A_195 = arith.constant 50393103 : i32
    %and3A_196 = vector.broadcast %and3A_195 : i32 to vector<512x128xi32>
    %and3A_197 = arith.andi %or3A_194, %and3A_196 : vector<512x128xi32>
    %shift_left3A_198 = arith.constant 4 : i32
    %shift_left3A_199 = vector.broadcast %shift_left3A_198 : i32 to vector<512x128xi32>
    %shift_left3A_200 = arith.shli %and3A_197, %shift_left3A_199 : vector<512x128xi32>
    %or3A_201 = arith.ori %and3A_197, %shift_left3A_200 : vector<512x128xi32>
    %and3A_202 = arith.constant 51130563 : i32
    %and3A_203 = vector.broadcast %and3A_202 : i32 to vector<512x128xi32>
    %and3A_204 = arith.andi %or3A_201, %and3A_203 : vector<512x128xi32>
    %shift_left3A_205 = arith.constant 2 : i32
    %shift_left3A_206 = vector.broadcast %shift_left3A_205 : i32 to vector<512x128xi32>
    %shift_left3A_207 = arith.shli %and3A_204, %shift_left3A_206 : vector<512x128xi32>
    %or3A_208 = arith.ori %and3A_204, %shift_left3A_207 : vector<512x128xi32>
    %and3A_209 = arith.constant 153391689 : i32
    %and3A_210 = vector.broadcast %and3A_209 : i32 to vector<512x128xi32>
    %and3A_211 = arith.andi %or3A_208, %and3A_210 : vector<512x128xi32>
    %shift_left3A_212 = arith.constant 2 : i32
    %shift_left3A_213 = vector.broadcast %shift_left3A_212 : i32 to vector<512x128xi32>
    %shift_left3A_214 = arith.shli %and3A_211, %shift_left3A_213 : vector<512x128xi32>
    %or3A_215 = arith.ori %or3A_158, %shift_left3A_214 : vector<512x128xi32>
    %and3A_216 = arith.constant 524287 : i32
    %and3A_217 = vector.broadcast %and3A_216 : i32 to vector<512x128xi32>
    %and3A_218 = arith.andi %or3A_215, %and3A_217 : vector<512x128xi32>
    %swap3A = arith.constant 0 : index
    %swap3A_219 = arith.constant 0 : index
    %swap3A_220 = vector.load %arg3[%swap3A, %swap3A_219] : memref<512x128xi32, #tpu.memory_space<vmem>>, vector<512x128xi32>
    tpu.vector_store %arg3[%swap3A, %swap3A_219], %and3A_218 {strides = array<i32>} : memref<512x128xi32, #tpu.memory_space<vmem>>, vector<512x128xi32>,
    %shift_right_arithmetic3A = arith.constant 19 : i32
    %shift_right_arithmetic3A_221 = vector.broadcast %shift_right_arithmetic3A : i32 to vector<512x128xi32>
    %shift_right_arithmetic3A_222 = arith.shrsi %or3A_215, %shift_right_arithmetic3A_221 : vector<512x128xi32>
    %shift_left3A_223 = arith.constant 3 : i32
    %shift_left3A_224 = vector.broadcast %shift_left3A_223 : i32 to vector<512x128xi32>
    %shift_left3A_225 = arith.shli %shift_right_arithmetic3A_222, %shift_left3A_224 : vector<512x128xi32>
    %add3A_226 = arith.addi %select_n3A_56, %shift_left3A_225 : vector<512x128xi32>
    %shift_left3A_227 = arith.constant 1 : i32
    %shift_left3A_228 = vector.broadcast %shift_left3A_227 : i32 to vector<512x128xi32>
    %shift_left3A_229 = arith.shli %shift_left3A_228, %add3A_226 : vector<512x128xi32>
    %swap3A_230 = arith.constant 0 : index
    %swap3A_231 = arith.constant 0 : index
    %swap3A_232 = vector.load %arg4[%swap3A_230, %swap3A_231] : memref<512x128xi32, #tpu.memory_space<vmem>>, vector<512x128xi32>
    tpu.vector_store %arg4[%swap3A_230, %swap3A_231], %shift_left3A_229 {strides = array<i32>} : memref<512x128xi32, #tpu.memory_space<vmem>>, vector<512x128xi32>,
    return
  }
  func.func @transform_0(%arg0: i32) -> (i32, i32, i32) {
    %add3A = arith.constant 0 : i32
    %add3A_0 = arith.addi %arg0, %add3A : i32
    %c0_i32 = arith.constant 0 : i32
    %c0_i32_1 = arith.constant 0 : i32
    %c0_i32_2 = arith.constant 0 : i32
    return %c0_i32, %add3A_0, %c0_i32_1 : i32, i32, i32
  }
  func.func @transform_1(%arg0: i32) -> (i32, i32, i32) {
    %add3A = arith.constant 0 : i32
    %add3A_0 = arith.addi %arg0, %add3A : i32
    %c0_i32 = arith.constant 0 : i32
    %c0_i32_1 = arith.constant 0 : i32
    %c0_i32_2 = arith.constant 0 : i32
    return %c0_i32, %add3A_0, %c0_i32_1 : i32, i32, i32
  }
  func.func @transform_2(%arg0: i32) -> (i32, i32) {
    %c0_i32 = arith.constant 0 : i32
    %c0_i32_0 = arith.constant 0 : i32
    return %arg0, %c0_i32 : i32, i32
  }
  func.func @transform_3(%arg0: i32) -> (i32, i32) {
    %c0_i32 = arith.constant 0 : i32
    %c0_i32_0 = arith.constant 0 : i32
    return %arg0, %c0_i32 : i32, i32
  }
}

module attributes {stable_mosaic.version = 14 : i64} {
  func.func @_pack_body(%arg0: i32, %arg1: memref<6x131072xi32, #tpu.memory_space<vmem>>, %arg2: memref<6x131072xi32, #tpu.memory_space<vmem>>, %arg3: memref<6x131072xi32, #tpu.memory_space<vmem>>, %arg4: memref<6x131072xi32, #tpu.memory_space<vmem>>, %arg5: memref<1x1x131072xi32, #tpu.memory_space<vmem>>) attributes {dimension_semantics = [#tpu.dimension_semantics<arbitrary>], iteration_bounds = array<i64: 4>, scalar_prefetch = 0 : i64, scratch_operands = 0 : i64, tpu.core_type = #tpu.core_type<tc>, window_params = [{transform_indices = @transform_0, window_bounds = array<i64: 6, 131072>}, {transform_indices = @transform_1, window_bounds = array<i64: 6, 131072>}, {transform_indices = @transform_2, window_bounds = array<i64: 6, 131072>}, {transform_indices = @transform_3, window_bounds = array<i64: 6, 131072>}, {transform_indices = @transform_4, window_bounds = array<i64: 1, 1, 131072>}]} {
    %get3A = arith.constant 0 : index
    %get3A_0 = arith.constant 0 : index
    %get3A_1 = vector.load %arg1[%get3A, %get3A_0] : memref<6x131072xi32, #tpu.memory_space<vmem>>, vector<6x131072xi32>
    %iota3A = tpu.iota {dimensions = array<i32: 0>} : vector<6x131072xi32>
    %gt3A = arith.constant 128 : i32
    %gt3A_2 = vector.broadcast %gt3A : i32 to vector<6x131072xi32>
    %gt3A_3 = arith.cmpi sgt, %get3A_1, %gt3A_2 : vector<6x131072xi32>
    %shift_left3A = arith.constant 1 : i32
    %shift_left3A_4 = vector.broadcast %shift_left3A : i32 to vector<6x131072xi32>
    %shift_left3A_5 = arith.shli %shift_left3A_4, %iota3A : vector<6x131072xi32>
    %jit3A = arith.constant 0 : i32
    %broadcast_in_dim3A = vector.broadcast %jit3A : i32 to vector<6x131072xi32>
    %select_n3A = arith.select %gt3A_3, %shift_left3A_5, %broadcast_in_dim3A : vector<6x131072xi1>, vector<6x131072xi32>
    %reduce_sum3A = arith.constant dense<0> : vector<131072xi32>
    %reduce_sum3A_6 = vector.multi_reduction <add>, %select_n3A, %reduce_sum3A [0] : vector<6x131072xi32> to vector<131072xi32>
    %broadcast_in_dim3A_7 = vector.shape_cast %reduce_sum3A_6 : vector<131072xi32> to vector<1x131072xi32>
    %get3A_8 = arith.constant 0 : index
    %get3A_9 = arith.constant 0 : index
    %get3A_10 = vector.load %arg2[%get3A_8, %get3A_9] : memref<6x131072xi32, #tpu.memory_space<vmem>>, vector<6x131072xi32>
    %iota3A_11 = tpu.iota {dimensions = array<i32: 0>} : vector<6x131072xi32>
    %gt3A_12 = arith.constant 128 : i32
    %gt3A_13 = vector.broadcast %gt3A_12 : i32 to vector<6x131072xi32>
    %gt3A_14 = arith.cmpi sgt, %get3A_10, %gt3A_13 : vector<6x131072xi32>
    %shift_left3A_15 = arith.constant 1 : i32
    %shift_left3A_16 = vector.broadcast %shift_left3A_15 : i32 to vector<6x131072xi32>
    %shift_left3A_17 = arith.shli %shift_left3A_16, %iota3A_11 : vector<6x131072xi32>
    %jit3A_18 = arith.constant 0 : i32
    %broadcast_in_dim3A_19 = vector.broadcast %jit3A_18 : i32 to vector<6x131072xi32>
    %select_n3A_20 = arith.select %gt3A_14, %shift_left3A_17, %broadcast_in_dim3A_19 : vector<6x131072xi1>, vector<6x131072xi32>
    %reduce_sum3A_21 = arith.constant dense<0> : vector<131072xi32>
    %reduce_sum3A_22 = vector.multi_reduction <add>, %select_n3A_20, %reduce_sum3A_21 [0] : vector<6x131072xi32> to vector<131072xi32>
    %broadcast_in_dim3A_23 = vector.shape_cast %reduce_sum3A_22 : vector<131072xi32> to vector<1x131072xi32>
    %shift_left3A_24 = arith.constant 8 : i32
    %shift_left3A_25 = vector.broadcast %shift_left3A_24 : i32 to vector<1x131072xi32>
    %shift_left3A_26 = arith.shli %broadcast_in_dim3A_23, %shift_left3A_25 : vector<1x131072xi32>
    %or3A = arith.ori %broadcast_in_dim3A_7, %shift_left3A_26 : vector<1x131072xi32>
    %get3A_27 = arith.constant 0 : index
    %get3A_28 = arith.constant 0 : index
    %get3A_29 = vector.load %arg3[%get3A_27, %get3A_28] : memref<6x131072xi32, #tpu.memory_space<vmem>>, vector<6x131072xi32>
    %iota3A_30 = tpu.iota {dimensions = array<i32: 0>} : vector<6x131072xi32>
    %gt3A_31 = arith.constant 128 : i32
    %gt3A_32 = vector.broadcast %gt3A_31 : i32 to vector<6x131072xi32>
    %gt3A_33 = arith.cmpi sgt, %get3A_29, %gt3A_32 : vector<6x131072xi32>
    %shift_left3A_34 = arith.constant 1 : i32
    %shift_left3A_35 = vector.broadcast %shift_left3A_34 : i32 to vector<6x131072xi32>
    %shift_left3A_36 = arith.shli %shift_left3A_35, %iota3A_30 : vector<6x131072xi32>
    %jit3A_37 = arith.constant 0 : i32
    %broadcast_in_dim3A_38 = vector.broadcast %jit3A_37 : i32 to vector<6x131072xi32>
    %select_n3A_39 = arith.select %gt3A_33, %shift_left3A_36, %broadcast_in_dim3A_38 : vector<6x131072xi1>, vector<6x131072xi32>
    %reduce_sum3A_40 = arith.constant dense<0> : vector<131072xi32>
    %reduce_sum3A_41 = vector.multi_reduction <add>, %select_n3A_39, %reduce_sum3A_40 [0] : vector<6x131072xi32> to vector<131072xi32>
    %broadcast_in_dim3A_42 = vector.shape_cast %reduce_sum3A_41 : vector<131072xi32> to vector<1x131072xi32>
    %shift_left3A_43 = arith.constant 16 : i32
    %shift_left3A_44 = vector.broadcast %shift_left3A_43 : i32 to vector<1x131072xi32>
    %shift_left3A_45 = arith.shli %broadcast_in_dim3A_42, %shift_left3A_44 : vector<1x131072xi32>
    %or3A_46 = arith.ori %or3A, %shift_left3A_45 : vector<1x131072xi32>
    %get3A_47 = arith.constant 0 : index
    %get3A_48 = arith.constant 0 : index
    %get3A_49 = vector.load %arg4[%get3A_47, %get3A_48] : memref<6x131072xi32, #tpu.memory_space<vmem>>, vector<6x131072xi32>
    %iota3A_50 = tpu.iota {dimensions = array<i32: 0>} : vector<6x131072xi32>
    %gt3A_51 = arith.constant 128 : i32
    %gt3A_52 = vector.broadcast %gt3A_51 : i32 to vector<6x131072xi32>
    %gt3A_53 = arith.cmpi sgt, %get3A_49, %gt3A_52 : vector<6x131072xi32>
    %shift_left3A_54 = arith.constant 1 : i32
    %shift_left3A_55 = vector.broadcast %shift_left3A_54 : i32 to vector<6x131072xi32>
    %shift_left3A_56 = arith.shli %shift_left3A_55, %iota3A_50 : vector<6x131072xi32>
    %jit3A_57 = arith.constant 0 : i32
    %broadcast_in_dim3A_58 = vector.broadcast %jit3A_57 : i32 to vector<6x131072xi32>
    %select_n3A_59 = arith.select %gt3A_53, %shift_left3A_56, %broadcast_in_dim3A_58 : vector<6x131072xi1>, vector<6x131072xi32>
    %reduce_sum3A_60 = arith.constant dense<0> : vector<131072xi32>
    %reduce_sum3A_61 = vector.multi_reduction <add>, %select_n3A_59, %reduce_sum3A_60 [0] : vector<6x131072xi32> to vector<131072xi32>
    %broadcast_in_dim3A_62 = vector.shape_cast %reduce_sum3A_61 : vector<131072xi32> to vector<1x131072xi32>
    %shift_left3A_63 = arith.constant 24 : i32
    %shift_left3A_64 = vector.broadcast %shift_left3A_63 : i32 to vector<1x131072xi32>
    %shift_left3A_65 = arith.shli %broadcast_in_dim3A_62, %shift_left3A_64 : vector<1x131072xi32>
    %or3A_66 = arith.ori %or3A_46, %shift_left3A_65 : vector<1x131072xi32>
    %broadcast_in_dim3A_67 = vector.shape_cast %or3A_66 : vector<1x131072xi32> to vector<1x1x131072xi32>
    %swap3A = arith.constant 0 : index
    %swap3A_68 = arith.constant 0 : index
    %swap3A_69 = arith.constant 0 : index
    %swap3A_70 = vector.load %arg5[%swap3A, %swap3A_68, %swap3A_69] : memref<1x1x131072xi32, #tpu.memory_space<vmem>>, vector<1x1x131072xi32>
    tpu.vector_store %arg5[%swap3A, %swap3A_68, %swap3A_69], %broadcast_in_dim3A_67 {strides = array<i32>} : memref<1x1x131072xi32, #tpu.memory_space<vmem>>, vector<1x1x131072xi32>,
    return
  }
  func.func @transform_0(%arg0: i32) -> (i32, i32) {
    %add3A = arith.constant 0 : i32
    %add3A_0 = arith.addi %arg0, %add3A : i32
    %c0_i32 = arith.constant 0 : i32
    %c0_i32_1 = arith.constant 0 : i32
    return %c0_i32, %add3A_0 : i32, i32
  }
  func.func @transform_1(%arg0: i32) -> (i32, i32) {
    %add3A = arith.constant 4 : i32
    %add3A_0 = arith.addi %arg0, %add3A : i32
    %c0_i32 = arith.constant 0 : i32
    %c0_i32_1 = arith.constant 0 : i32
    return %c0_i32, %add3A_0 : i32, i32
  }
  func.func @transform_2(%arg0: i32) -> (i32, i32) {
    %add3A = arith.constant 8 : i32
    %add3A_0 = arith.addi %arg0, %add3A : i32
    %c0_i32 = arith.constant 0 : i32
    %c0_i32_1 = arith.constant 0 : i32
    return %c0_i32, %add3A_0 : i32, i32
  }
  func.func @transform_3(%arg0: i32) -> (i32, i32) {
    %add3A = arith.constant 12 : i32
    %add3A_0 = arith.addi %arg0, %add3A : i32
    %c0_i32 = arith.constant 0 : i32
    %c0_i32_1 = arith.constant 0 : i32
    return %c0_i32, %add3A_0 : i32, i32
  }
  func.func @transform_4(%arg0: i32) -> (i32, i32, i32) {
    %c0_i32 = arith.constant 0 : i32
    %c0_i32_0 = arith.constant 0 : i32
    %c0_i32_1 = arith.constant 0 : i32
    return %arg0, %c0_i32, %c0_i32_0 : i32, i32, i32
  }
}

module attributes {stable_mosaic.version = 14 : i64} {
  func.func @_index_body(%arg0: i32, %arg1: memref<3x512x128xf32, #tpu.memory_space<vmem>>, %arg2: memref<3x512x128xf32, #tpu.memory_space<vmem>>, %arg3: memref<512x128xi32, #tpu.memory_space<vmem>>, %arg4: memref<512x128xi32, #tpu.memory_space<vmem>>) attributes {dimension_semantics = [#tpu.dimension_semantics<arbitrary>], iteration_bounds = array<i64: 8>, scalar_prefetch = 0 : i64, scratch_operands = 0 : i64, tpu.core_type = #tpu.core_type<tc>, window_params = [{transform_indices = @transform_0, window_bounds = array<i64: 3, 512, 128>}, {transform_indices = @transform_1, window_bounds = array<i64: 3, 512, 128>}, {transform_indices = @transform_2, window_bounds = array<i64: 512, 128>}, {transform_indices = @transform_3, window_bounds = array<i64: 512, 128>}]} {
    %get3A = arith.constant 0 : index
    %get3A_0 = arith.constant 0 : index
    %get3A_1 = arith.constant 0 : index
    %get3A_2 = vector.load %arg2[%get3A, %get3A_0, %get3A_1] : memref<3x512x128xf32, #tpu.memory_space<vmem>>, vector<1x512x128xf32>
    %get3A_3 = vector.shape_cast %get3A_2 : vector<1x512x128xf32> to vector<512x128xf32>
    %get3A_4 = arith.constant 1 : index
    %get3A_5 = arith.constant 0 : index
    %get3A_6 = arith.constant 0 : index
    %get3A_7 = vector.load %arg2[%get3A_4, %get3A_5, %get3A_6] : memref<3x512x128xf32, #tpu.memory_space<vmem>>, vector<1x512x128xf32>
    %get3A_8 = vector.shape_cast %get3A_7 : vector<1x512x128xf32> to vector<512x128xf32>
    %get3A_9 = arith.constant 2 : index
    %get3A_10 = arith.constant 0 : index
    %get3A_11 = arith.constant 0 : index
    %get3A_12 = vector.load %arg2[%get3A_9, %get3A_10, %get3A_11] : memref<3x512x128xf32, #tpu.memory_space<vmem>>, vector<1x512x128xf32>
    %get3A_13 = vector.shape_cast %get3A_12 : vector<1x512x128xf32> to vector<512x128xf32>
    %abs3A = math.absf %get3A_3 : vector<512x128xf32>
    %abs3A_14 = math.absf %get3A_8 : vector<512x128xf32>
    %max3A = arith.maximumf %abs3A, %abs3A_14 : vector<512x128xf32>
    %abs3A_15 = math.absf %get3A_13 : vector<512x128xf32>
    %max3A_16 = arith.maximumf %max3A, %abs3A_15 : vector<512x128xf32>
    %div3A = arith.divf %get3A_3, %max3A_16 : vector<512x128xf32>
    %div3A_17 = arith.divf %get3A_8, %max3A_16 : vector<512x128xf32>
    %div3A_18 = arith.divf %get3A_13, %max3A_16 : vector<512x128xf32>
    %ge3A = arith.constant 1.000000e+00 : f32
    %ge3A_19 = vector.broadcast %ge3A : f32 to vector<512x128xf32>
    %ge3A_20 = arith.cmpf oge, %div3A, %ge3A_19 : vector<512x128xf32>
    %neg3A = arith.constant 0.000000e+00 : f32
    %neg3A_21 = arith.constant 1.000000e+00 : f32
    %neg3A_22 = arith.subf %neg3A, %neg3A_21 : f32
    %le3A = vector.broadcast %neg3A_22 : f32 to vector<512x128xf32>
    %le3A_23 = arith.cmpf ole, %div3A, %le3A : vector<512x128xf32>
    %ge3A_24 = arith.constant 1.000000e+00 : f32
    %ge3A_25 = vector.broadcast %ge3A_24 : f32 to vector<512x128xf32>
    %ge3A_26 = arith.cmpf oge, %div3A_17, %ge3A_25 : vector<512x128xf32>
    %neg3A_27 = arith.constant 0.000000e+00 : f32
    %neg3A_28 = arith.constant 1.000000e+00 : f32
    %neg3A_29 = arith.subf %neg3A_27, %neg3A_28 : f32
    %le3A_30 = vector.broadcast %neg3A_29 : f32 to vector<512x128xf32>
    %le3A_31 = arith.cmpf ole, %div3A_17, %le3A_30 : vector<512x128xf32>
    %ge3A_32 = arith.constant 1.000000e+00 : f32
    %ge3A_33 = vector.broadcast %ge3A_32 : f32 to vector<512x128xf32>
    %ge3A_34 = arith.cmpf oge, %div3A_18, %ge3A_33 : vector<512x128xf32>
    %neg3A_35 = arith.constant 0.000000e+00 : f32
    %neg3A_36 = arith.constant 1.000000e+00 : f32
    %neg3A_37 = arith.subf %neg3A_35, %neg3A_36 : f32
    %le3A_38 = vector.broadcast %neg3A_37 : f32 to vector<512x128xf32>
    %le3A_39 = arith.cmpf ole, %div3A_18, %le3A_38 : vector<512x128xf32>
    %broadcast_in_dim3A = arith.constant 0 : i32
    %broadcast_in_dim3A_40 = vector.broadcast %broadcast_in_dim3A : i32 to vector<512x128xi32>
    %jit3A = arith.constant 0 : i32
    %broadcast_in_dim3A_41 = vector.broadcast %jit3A : i32 to vector<512x128xi32>
    %select_n3A = arith.select %ge3A_20, %broadcast_in_dim3A_41, %broadcast_in_dim3A_40 : vector<512x128xi1>, vector<512x128xi32>
    %jit3A_42 = arith.constant 1 : i32
    %broadcast_in_dim3A_43 = vector.broadcast %jit3A_42 : i32 to vector<512x128xi32>
    %select_n3A_44 = arith.select %le3A_23, %broadcast_in_dim3A_43, %select_n3A : vector<512x128xi1>, vector<512x128xi32>
    %jit3A_45 = arith.constant 2 : i32
    %broadcast_in_dim3A_46 = vector.broadcast %jit3A_45 : i32 to vector<512x128xi32>
    %select_n3A_47 = arith.select %ge3A_26, %broadcast_in_dim3A_46, %select_n3A_44 : vector<512x128xi1>, vector<512x128xi32>
    %jit3A_48 = arith.constant 3 : i32
    %broadcast_in_dim3A_49 = vector.broadcast %jit3A_48 : i32 to vector<512x128xi32>
    %select_n3A_50 = arith.select %le3A_31, %broadcast_in_dim3A_49, %select_n3A_47 : vector<512x128xi1>, vector<512x128xi32>
    %jit3A_51 = arith.constant 4 : i32
    %broadcast_in_dim3A_52 = vector.broadcast %jit3A_51 : i32 to vector<512x128xi32>
    %select_n3A_53 = arith.select %ge3A_34, %broadcast_in_dim3A_52, %select_n3A_50 : vector<512x128xi1>, vector<512x128xi32>
    %jit3A_54 = arith.constant 5 : i32
    %broadcast_in_dim3A_55 = vector.broadcast %jit3A_54 : i32 to vector<512x128xi32>
    %select_n3A_56 = arith.select %le3A_39, %broadcast_in_dim3A_55, %select_n3A_53 : vector<512x128xi1>, vector<512x128xi32>
    %get3A_57 = arith.constant 0 : index
    %get3A_58 = arith.constant 0 : index
    %get3A_59 = arith.constant 0 : index
    %get3A_60 = vector.load %arg1[%get3A_57, %get3A_58, %get3A_59] : memref<3x512x128xf32, #tpu.memory_space<vmem>>, vector<1x512x128xf32>
    %get3A_61 = vector.shape_cast %get3A_60 : vector<1x512x128xf32> to vector<512x128xf32>
    %div3A_62 = arith.constant 2.000000e+00 : f32
    %div3A_63 = vector.broadcast %div3A_62 : f32 to vector<512x128xf32>
    %div3A_64 = arith.divf %get3A_61, %div3A_63 : vector<512x128xf32>
    %add3A = arith.constant 5.000000e-01 : f32
    %add3A_65 = vector.broadcast %add3A : f32 to vector<512x128xf32>
    %add3A_66 = arith.addf %div3A_64, %add3A_65 : vector<512x128xf32>
    %mul3A = arith.constant 1.280000e+02 : f32
    %mul3A_67 = vector.broadcast %mul3A : f32 to vector<512x128xf32>
    %mul3A_68 = arith.mulf %add3A_66, %mul3A_67 : vector<512x128xf32>
    %jit3A_69 = arith.constant 0.000000e+00 : f32
    %jit3A_70 = arith.constant 1.270000e+02 : f32
    %max3A_71 = vector.broadcast %jit3A_69 : f32 to vector<512x128xf32>
    %max3A_72 = arith.maximumf %max3A_71, %mul3A_68 : vector<512x128xf32>
    %min3A = vector.broadcast %jit3A_70 : f32 to vector<512x128xf32>
    %min3A_73 = arith.minimumf %min3A, %max3A_72 : vector<512x128xf32>
    %floor3A = math.floor %min3A_73 : vector<512x128xf32>
    %convert_element_type3A = arith.fptosi %floor3A : vector<512x128xf32> to vector<512x128xi32>
    %and3A = arith.constant 1023 : i32
    %and3A_74 = vector.broadcast %and3A : i32 to vector<512x128xi32>
    %and3A_75 = arith.andi %convert_element_type3A, %and3A_74 : vector<512x128xi32>
    %shift_left3A = arith.constant 16 : i32
    %shift_left3A_76 = vector.broadcast %shift_left3A : i32 to vector<512x128xi32>
    %shift_left3A_77 = arith.shli %and3A_75, %shift_left3A_76 : vector<512x128xi32>
    %or3A = arith.ori %and3A_75, %shift_left3A_77 : vector<512x128xi32>
    %and3A_78 = arith.constant 50331903 : i32
    %and3A_79 = vector.broadcast %and3A_78 : i32 to vector<512x128xi32>
    %and3A_80 = arith.andi %or3A, %and3A_79 : vector<512x128xi32>
    %shift_left3A_81 = arith.constant 8 : i32
    %shift_left3A_82 = vector.broadcast %shift_left3A_81 : i32 to vector<512x128xi32>
    %shift_left3A_83 = arith.shli %and3A_80, %shift_left3A_82 : vector<512x128xi32>
    %or3A_84 = arith.ori %and3A_80, %shift_left3A_83 : vector<512x128xi32>
    %and3A_85 = arith.constant 50393103 : i32
    %and3A_86 = vector.broadcast %and3A_85 : i32 to vector<512x128xi32>
    %and3A_87 = arith.andi %or3A_84, %and3A_86 : vector<512x128xi32>
    %shift_left3A_88 = arith.constant 4 : i32
    %shift_left3A_89 = vector.broadcast %shift_left3A_88 : i32 to vector<512x128xi32>
    %shift_left3A_90 = arith.shli %and3A_87, %shift_left3A_89 : vector<512x128xi32>
    %or3A_91 = arith.ori %and3A_87, %shift_left3A_90 : vector<512x128xi32>
    %and3A_92 = arith.constant 51130563 : i32
    %and3A_93 = vector.broadcast %and3A_92 : i32 to vector<512x128xi32>
    %and3A_94 = arith.andi %or3A_91, %and3A_93 : vector<512x128xi32>
    %shift_left3A_95 = arith.constant 2 : i32
    %shift_left3A_96 = vector.broadcast %shift_left3A_95 : i32 to vector<512x128xi32>
    %shift_left3A_97 = arith.shli %and3A_94, %shift_left3A_96 : vector<512x128xi32>
    %or3A_98 = arith.ori %and3A_94, %shift_left3A_97 : vector<512x128xi32>
    %and3A_99 = arith.constant 153391689 : i32
    %and3A_100 = vector.broadcast %and3A_99 : i32 to vector<512x128xi32>
    %and3A_101 = arith.andi %or3A_98, %and3A_100 : vector<512x128xi32>
    %get3A_102 = arith.constant 1 : index
    %get3A_103 = arith.constant 0 : index
    %get3A_104 = arith.constant 0 : index
    %get3A_105 = vector.load %arg1[%get3A_102, %get3A_103, %get3A_104] : memref<3x512x128xf32, #tpu.memory_space<vmem>>, vector<1x512x128xf32>
    %get3A_106 = vector.shape_cast %get3A_105 : vector<1x512x128xf32> to vector<512x128xf32>
    %div3A_107 = arith.constant 2.000000e+00 : f32
    %div3A_108 = vector.broadcast %div3A_107 : f32 to vector<512x128xf32>
    %div3A_109 = arith.divf %get3A_106, %div3A_108 : vector<512x128xf32>
    %add3A_110 = arith.constant 5.000000e-01 : f32
    %add3A_111 = vector.broadcast %add3A_110 : f32 to vector<512x128xf32>
    %add3A_112 = arith.addf %div3A_109, %add3A_111 : vector<512x128xf32>
    %mul3A_113 = arith.constant 1.280000e+02 : f32
    %mul3A_114 = vector.broadcast %mul3A_113 : f32 to vector<512x128xf32>
    %mul3A_115 = arith.mulf %add3A_112, %mul3A_114 : vector<512x128xf32>
    %jit3A_116 = arith.constant 0.000000e+00 : f32
    %jit3A_117 = arith.constant 1.270000e+02 : f32
    %max3A_118 = vector.broadcast %jit3A_116 : f32 to vector<512x128xf32>
    %max3A_119 = arith.maximumf %max3A_118, %mul3A_115 : vector<512x128xf32>
    %min3A_120 = vector.broadcast %jit3A_117 : f32 to vector<512x128xf32>
    %min3A_121 = arith.minimumf %min3A_120, %max3A_119 : vector<512x128xf32>
    %floor3A_122 = math.floor %min3A_121 : vector<512x128xf32>
    %convert_element_type3A_123 = arith.fptosi %floor3A_122 : vector<512x128xf32> to vector<512x128xi32>
    %and3A_124 = arith.constant 1023 : i32
    %and3A_125 = vector.broadcast %and3A_124 : i32 to vector<512x128xi32>
    %and3A_126 = arith.andi %convert_element_type3A_123, %and3A_125 : vector<512x128xi32>
    %shift_left3A_127 = arith.constant 16 : i32
    %shift_left3A_128 = vector.broadcast %shift_left3A_127 : i32 to vector<512x128xi32>
    %shift_left3A_129 = arith.shli %and3A_126, %shift_left3A_128 : vector<512x128xi32>
    %or3A_130 = arith.ori %and3A_126, %shift_left3A_129 : vector<512x128xi32>
    %and3A_131 = arith.constant 50331903 : i32
    %and3A_132 = vector.broadcast %and3A_131 : i32 to vector<512x128xi32>
    %and3A_133 = arith.andi %or3A_130, %and3A_132 : vector<512x128xi32>
    %shift_left3A_134 = arith.constant 8 : i32
    %shift_left3A_135 = vector.broadcast %shift_left3A_134 : i32 to vector<512x128xi32>
    %shift_left3A_136 = arith.shli %and3A_133, %shift_left3A_135 : vector<512x128xi32>
    %or3A_137 = arith.ori %and3A_133, %shift_left3A_136 : vector<512x128xi32>
    %and3A_138 = arith.constant 50393103 : i32
    %and3A_139 = vector.broadcast %and3A_138 : i32 to vector<512x128xi32>
    %and3A_140 = arith.andi %or3A_137, %and3A_139 : vector<512x128xi32>
    %shift_left3A_141 = arith.constant 4 : i32
    %shift_left3A_142 = vector.broadcast %shift_left3A_141 : i32 to vector<512x128xi32>
    %shift_left3A_143 = arith.shli %and3A_140, %shift_left3A_142 : vector<512x128xi32>
    %or3A_144 = arith.ori %and3A_140, %shift_left3A_143 : vector<512x128xi32>
    %and3A_145 = arith.constant 51130563 : i32
    %and3A_146 = vector.broadcast %and3A_145 : i32 to vector<512x128xi32>
    %and3A_147 = arith.andi %or3A_144, %and3A_146 : vector<512x128xi32>
    %shift_left3A_148 = arith.constant 2 : i32
    %shift_left3A_149 = vector.broadcast %shift_left3A_148 : i32 to vector<512x128xi32>
    %shift_left3A_150 = arith.shli %and3A_147, %shift_left3A_149 : vector<512x128xi32>
    %or3A_151 = arith.ori %and3A_147, %shift_left3A_150 : vector<512x128xi32>
    %and3A_152 = arith.constant 153391689 : i32
    %and3A_153 = vector.broadcast %and3A_152 : i32 to vector<512x128xi32>
    %and3A_154 = arith.andi %or3A_151, %and3A_153 : vector<512x128xi32>
    %shift_left3A_155 = arith.constant 1 : i32
    %shift_left3A_156 = vector.broadcast %shift_left3A_155 : i32 to vector<512x128xi32>
    %shift_left3A_157 = arith.shli %and3A_154, %shift_left3A_156 : vector<512x128xi32>
    %or3A_158 = arith.ori %and3A_101, %shift_left3A_157 : vector<512x128xi32>
    %get3A_159 = arith.constant 2 : index
    %get3A_160 = arith.constant 0 : index
    %get3A_161 = arith.constant 0 : index
    %get3A_162 = vector.load %arg1[%get3A_159, %get3A_160, %get3A_161] : memref<3x512x128xf32, #tpu.memory_space<vmem>>, vector<1x512x128xf32>
    %get3A_163 = vector.shape_cast %get3A_162 : vector<1x512x128xf32> to vector<512x128xf32>
    %div3A_164 = arith.constant 2.000000e+00 : f32
    %div3A_165 = vector.broadcast %div3A_164 : f32 to vector<512x128xf32>
    %div3A_166 = arith.divf %get3A_163, %div3A_165 : vector<512x128xf32>
    %add3A_167 = arith.constant 5.000000e-01 : f32
    %add3A_168 = vector.broadcast %add3A_167 : f32 to vector<512x128xf32>
    %add3A_169 = arith.addf %div3A_166, %add3A_168 : vector<512x128xf32>
    %mul3A_170 = arith.constant 1.280000e+02 : f32
    %mul3A_171 = vector.broadcast %mul3A_170 : f32 to vector<512x128xf32>
    %mul3A_172 = arith.mulf %add3A_169, %mul3A_171 : vector<512x128xf32>
    %jit3A_173 = arith.constant 0.000000e+00 : f32
    %jit3A_174 = arith.constant 1.270000e+02 : f32
    %max3A_175 = vector.broadcast %jit3A_173 : f32 to vector<512x128xf32>
    %max3A_176 = arith.maximumf %max3A_175, %mul3A_172 : vector<512x128xf32>
    %min3A_177 = vector.broadcast %jit3A_174 : f32 to vector<512x128xf32>
    %min3A_178 = arith.minimumf %min3A_177, %max3A_176 : vector<512x128xf32>
    %floor3A_179 = math.floor %min3A_178 : vector<512x128xf32>
    %convert_element_type3A_180 = arith.fptosi %floor3A_179 : vector<512x128xf32> to vector<512x128xi32>
    %and3A_181 = arith.constant 1023 : i32
    %and3A_182 = vector.broadcast %and3A_181 : i32 to vector<512x128xi32>
    %and3A_183 = arith.andi %convert_element_type3A_180, %and3A_182 : vector<512x128xi32>
    %shift_left3A_184 = arith.constant 16 : i32
    %shift_left3A_185 = vector.broadcast %shift_left3A_184 : i32 to vector<512x128xi32>
    %shift_left3A_186 = arith.shli %and3A_183, %shift_left3A_185 : vector<512x128xi32>
    %or3A_187 = arith.ori %and3A_183, %shift_left3A_186 : vector<512x128xi32>
    %and3A_188 = arith.constant 50331903 : i32
    %and3A_189 = vector.broadcast %and3A_188 : i32 to vector<512x128xi32>
    %and3A_190 = arith.andi %or3A_187, %and3A_189 : vector<512x128xi32>
    %shift_left3A_191 = arith.constant 8 : i32
    %shift_left3A_192 = vector.broadcast %shift_left3A_191 : i32 to vector<512x128xi32>
    %shift_left3A_193 = arith.shli %and3A_190, %shift_left3A_192 : vector<512x128xi32>
    %or3A_194 = arith.ori %and3A_190, %shift_left3A_193 : vector<512x128xi32>
    %and3A_195 = arith.constant 50393103 : i32
    %and3A_196 = vector.broadcast %and3A_195 : i32 to vector<512x128xi32>
    %and3A_197 = arith.andi %or3A_194, %and3A_196 : vector<512x128xi32>
    %shift_left3A_198 = arith.constant 4 : i32
    %shift_left3A_199 = vector.broadcast %shift_left3A_198 : i32 to vector<512x128xi32>
    %shift_left3A_200 = arith.shli %and3A_197, %shift_left3A_199 : vector<512x128xi32>
    %or3A_201 = arith.ori %and3A_197, %shift_left3A_200 : vector<512x128xi32>
    %and3A_202 = arith.constant 51130563 : i32
    %and3A_203 = vector.broadcast %and3A_202 : i32 to vector<512x128xi32>
    %and3A_204 = arith.andi %or3A_201, %and3A_203 : vector<512x128xi32>
    %shift_left3A_205 = arith.constant 2 : i32
    %shift_left3A_206 = vector.broadcast %shift_left3A_205 : i32 to vector<512x128xi32>
    %shift_left3A_207 = arith.shli %and3A_204, %shift_left3A_206 : vector<512x128xi32>
    %or3A_208 = arith.ori %and3A_204, %shift_left3A_207 : vector<512x128xi32>
    %and3A_209 = arith.constant 153391689 : i32
    %and3A_210 = vector.broadcast %and3A_209 : i32 to vector<512x128xi32>
    %and3A_211 = arith.andi %or3A_208, %and3A_210 : vector<512x128xi32>
    %shift_left3A_212 = arith.constant 2 : i32
    %shift_left3A_213 = vector.broadcast %shift_left3A_212 : i32 to vector<512x128xi32>
    %shift_left3A_214 = arith.shli %and3A_211, %shift_left3A_213 : vector<512x128xi32>
    %or3A_215 = arith.ori %or3A_158, %shift_left3A_214 : vector<512x128xi32>
    %and3A_216 = arith.constant 524287 : i32
    %and3A_217 = vector.broadcast %and3A_216 : i32 to vector<512x128xi32>
    %and3A_218 = arith.andi %or3A_215, %and3A_217 : vector<512x128xi32>
    %swap3A = arith.constant 0 : index
    %swap3A_219 = arith.constant 0 : index
    %swap3A_220 = vector.load %arg3[%swap3A, %swap3A_219] : memref<512x128xi32, #tpu.memory_space<vmem>>, vector<512x128xi32>
    tpu.vector_store %arg3[%swap3A, %swap3A_219], %and3A_218 {strides = array<i32>} : memref<512x128xi32, #tpu.memory_space<vmem>>, vector<512x128xi32>,
    %shift_right_arithmetic3A = arith.constant 19 : i32
    %shift_right_arithmetic3A_221 = vector.broadcast %shift_right_arithmetic3A : i32 to vector<512x128xi32>
    %shift_right_arithmetic3A_222 = arith.shrsi %or3A_215, %shift_right_arithmetic3A_221 : vector<512x128xi32>
    %shift_left3A_223 = arith.constant 3 : i32
    %shift_left3A_224 = vector.broadcast %shift_left3A_223 : i32 to vector<512x128xi32>
    %shift_left3A_225 = arith.shli %shift_right_arithmetic3A_222, %shift_left3A_224 : vector<512x128xi32>
    %add3A_226 = arith.addi %select_n3A_56, %shift_left3A_225 : vector<512x128xi32>
    %shift_left3A_227 = arith.constant 1 : i32
    %shift_left3A_228 = vector.broadcast %shift_left3A_227 : i32 to vector<512x128xi32>
    %shift_left3A_229 = arith.shli %shift_left3A_228, %add3A_226 : vector<512x128xi32>
    %swap3A_230 = arith.constant 0 : index
    %swap3A_231 = arith.constant 0 : index
    %swap3A_232 = vector.load %arg4[%swap3A_230, %swap3A_231] : memref<512x128xi32, #tpu.memory_space<vmem>>, vector<512x128xi32>
    tpu.vector_store %arg4[%swap3A_230, %swap3A_231], %shift_left3A_229 {strides = array<i32>} : memref<512x128xi32, #tpu.memory_space<vmem>>, vector<512x128xi32>,
    return
  }
  func.func @transform_0(%arg0: i32) -> (i32, i32, i32) {
    %add3A = arith.constant 8 : i32
    %add3A_0 = arith.addi %arg0, %add3A : i32
    %c0_i32 = arith.constant 0 : i32
    %c0_i32_1 = arith.constant 0 : i32
    %c0_i32_2 = arith.constant 0 : i32
    return %c0_i32, %add3A_0, %c0_i32_1 : i32, i32, i32
  }
  func.func @transform_1(%arg0: i32) -> (i32, i32, i32) {
    %add3A = arith.constant 8 : i32
    %add3A_0 = arith.addi %arg0, %add3A : i32
    %c0_i32 = arith.constant 0 : i32
    %c0_i32_1 = arith.constant 0 : i32
    %c0_i32_2 = arith.constant 0 : i32
    return %c0_i32, %add3A_0, %c0_i32_1 : i32, i32, i32
  }
  func.func @transform_2(%arg0: i32) -> (i32, i32) {
    %c0_i32 = arith.constant 0 : i32
    %c0_i32_0 = arith.constant 0 : i32
    return %arg0, %c0_i32 : i32, i32
  }
  func.func @transform_3(%arg0: i32) -> (i32, i32) {
    %c0_i32 = arith.constant 0 : i32
    %c0_i32_0 = arith.constant 0 : i32
    return %arg0, %c0_i32 : i32, i32
  }
}

</mosaic_0001>

<sc_bundles>
// kernel: kernel.10.cloned.1.call-start
scs
__scs_entry_jumppad:
0x0: {  	(pc) =	sbr.rel $0x88, $3  }
0x1: {  	(tag) =	ssettag $0x0;
	lr =	simm.s32 $0x1  }
0x2: {  	[smem:$0x3F9E] =	sst lr;
	_ =	strace $0xD0000000  }
0x3: {  	_ = 	snop  }
0x4: {  	_ = 	snop  }
0x5: {  	_ = 	snop  }
0x6: {  	_ = 	snop  }
0x7: {  	_ = 	snop  }
__scs_overlays_trampoline_lowered:
0x8: {  	[smem:$0x3FAD] =	sst s0  }
0x9: {  	[smem:$0x3FAE] =	sst s1  }
0xa: {  	[smem:$0x3FAF] =	sst s2  }
0xb: {  	[smem:$0x3FB0] =	sst s3  }
0xc: {  	[smem:$0x3FB1] =	sst s4  }
0xd: {  	[smem:$0x3FB2] =	sst s5  }
0xe: {  	[smem:$0x3FB3] =	sst s6  }
0xf: {  	[smem:$0x3FB4] =	sst s7  }
0x10: {  	[smem:$0x3FB5] =	sst s8  }
0x11: {  	[smem:$0x3FB6] =	sst s9;
	s0 =	simm.s32 @!p0 $0x0  }
0x12: {  	s1 =	sld [smem:$0x3F9C];
	s0 =	simm.s32 @p0 $0x1  }
0x13: {  	[smem:$0x3FB7] =	sst s0;
	s0 =	simm.s32 @!p1 $0x0  }
0x14: {  	s2 =	sld [smem:$0x3F9B];
	s0 =	simm.s32 @p1 $0x1  }
0x15: {  	[smem:$0x3FB8] =	sst s0;
	s0 =	simm.s32 @!p2 $0x0  }
0x16: {  	s3 =	sld [smem:$0x3FDB];
	s0 =	simm.s32 @p2 $0x1  }
0x17: {  	s4 =	simm.s32 $0x1BF5;
	[smem:$0x3FBA] =	sst s0  }
0x18: {  	s0 =	sld [smem:$0x3F9D];
	_ =	swait.ge [sflag:s4], $0x0  }
0x19: {  	s7 =	sld [smem:$0x3F9E]  }
0x1a: {  	s8 =	sadd.s32 $0xFFFFE003, lr  }
0x1b: {  	s9 =	sadd.s32 $0xFFFFFEF7, lr;
	s5 =	simm.s32 $0xFFFFFFFF;
	p2 =	slt.u32 s8, $0xFFFFF086  }
0x1c: {  	p1 =	slt.u32 s9, $0xF7A;
	s5 =	simm.s32 @!p2 $0x0  }
0x1d: {  	s5 =	simm.s32 @p1 $0x1;
	p0 =	seq.s32 s7, s2  }
0x1e: {  	s7 =	smul.u32 @!p0 $0xF7A, s2;
	p2 =	seq.s32 @!p0 s5, $0x0  }
0x1f: {  	s9 =	smul.u32 $0xF7A, s1;
	s8 =	simm.s32 @!p0 $0x1BF5;
	p2 =	por !p2, p0  }
0x20: {  	[sflag:s8] =	ssyncset.s32 @!p0 $0xFFFFF086;
	s6 =	sadd.s32 @!p0 s3, s7;
	s7 =	simm.s32 @!p0 $0x108  }
0x21: {  	s3 =	sadd.s32 s3, s9;
	s6 =	sadd.s32 @!p0 $0x88, s6;
	s7 =	simm.s32 @p2 $0x1082  }
0x22: {  	[simem:s7], [sflag:s8] =	dma.local @!p0 [hbm:s6], $0xF7A  }
0x23: {  	s9 =	sor.u32 $0xD0000000, s2;
	s6 =	simm.s32 $0x108;
	_ =	swait.ge @!p0 [sflag:s8], $0x0  }
0x24: {  	s3 =	sadd.s32 $0x88, s3;
	s6 =	simm.s32 @!p1 $0x1082;
	[sflag:s4] =	ssyncset.s32 $0xFFFFF086  }
0x25: {  	[simem:s6], [sflag:s4] =	dma.local [hbm:s3], $0xF7A  }
0x26: {  	[smem:$0x3F9E] =	sst s1;
	(tag) =	ssettag s2;
	_ =	strace s9  }
0x27: {  	s1 =	sld [smem:$0x3FAE]  }
0x28: {  	s2 =	sld [smem:$0x3FAF]  }
0x29: {  	s4 =	sld [smem:$0x3FB1]  }
0x2a: {  	p0 =	seq.s32 s5, $0x0;
	s5 =	sld [smem:$0x3FB2]  }
0x2b: {  	s6 =	sld [smem:$0x3FB3]  }
0x2c: {  	s7 =	sld [smem:$0x3FB4]  }
0x2d: {  	s3 =	simm.s32 $0x108;
	s8 =	sld [smem:$0x3FB5]  }
0x2e: {  	s3 =	simm.s32 @!p0 $0x1082;
	s9 =	sld [smem:$0x3FB6]  }
0x2f: {  	lr =	sadd.s32 s0, s3;
	s0 =	sld [smem:$0x3FAD]  }
0x30: {  	s3 =	sld [smem:$0x3FB0]  }
0x31: {  	[smem:$0x3FB9] =	sst s10  }
0x32: {  	s10 =	sld [smem:$0x3FB7];
	_ =	sdelay $0x3  }
0x33: {  	p0 =	seq.s32 s10, $0x1;
	s10 =	sld [smem:$0x3FB9];
	_ =	sdelay $0x3  }
0x34: {  	[smem:$0x3FB9] =	sst s10  }
0x35: {  	s10 =	sld [smem:$0x3FB8];
	_ =	sdelay $0x3  }
0x36: {  	p1 =	seq.s32 s10, $0x1;
	s10 =	sld [smem:$0x3FB9];
	_ =	sdelay $0x3  }
0x37: {  	[smem:$0x3FB9] =	sst s10  }
0x38: {  	s10 =	sld [smem:$0x3FBA]  }
0x39: {  	_ = 	snop;
	(pc) =	sbr.ind lr, $3  }
0x3a: {  	_ = 	snop  }
0x3b: {  	_ = 	snop  }
0x3c: {  	p2 =	seq.s32 s10, $0x1;
	s10 =	sld [smem:$0x3FB9]  }
0x3d: {  	_ =	shalt  }
0x3e: {  	_ =	shalt  }
0x3f: {  	_ =	shalt  }
0x40: {  	_ =	shalt  }
0x41: {  	_ =	shalt  }
0x42: {  	_ =	shalt  }
0x43: {  	_ =	shalt  }
0x44: {  	_ =	shalt  }
0x45: {  	_ =	shalt  }
0x46: {  	_ =	shalt  }
0x47: {  	_ =	shalt  }
0x48: {  	_ =	shalt  }
0x49: {  	_ =	shalt  }
0x4a: {  	_ =	shalt  }
0x4b: {  	_ =	shalt  }
0x4c: {  	_ =	shalt  }
0x4d: {  	_ =	shalt  }
0x4e: {  	_ =	shalt  }
0x4f: {  	_ =	shalt  }
0x50: {  	_ =	shalt  }
0x51: {  	_ =	shalt  }
0x52: {  	_ =	shalt  }
0x53: {  	_ =	shalt  }
0x54: {  	_ =	shalt  }
0x55: {  	_ =	shalt  }
0x56: {  	_ =	shalt  }
0x57: {  	_ =	shalt  }
0x58: {  	_ =	shalt  }
0x59: {  	_ =	shalt  }
0x5a: {  	_ =	shalt  }
0x5b: {  	_ =	shalt  }
0x5c: {  	_ =	shalt  }
0x5d: {  	_ =	shalt  }
0x5e: {  	_ =	shalt  }
0x5f: {  	_ =	shalt  }
0x60: {  	_ =	shalt  }
0x61: {  	_ =	shalt  }
0x62: {  	_ =	shalt  }
0x63: {  	_ =	shalt  }
0x64: {  	_ =	shalt  }
0x65: {  	_ =	shalt  }
0x66: {  	_ =	shalt  }
0x67: {  	_ =	shalt  }
0x68: {  	_ =	shalt  }
0x69: {  	_ =	shalt  }
0x6a: {  	_ =	shalt  }
0x6b: {  	_ =	shalt  }
0x6c: {  	_ =	shalt  }
0x6d: {  	_ =	shalt  }
0x6e: {  	_ =	shalt  }
0x6f: {  	_ =	shalt  }
0x70: {  	_ =	shalt  }
0x71: {  	_ =	shalt  }
0x72: {  	_ =	shalt  }
0x73: {  	_ =	shalt  }
0x74: {  	_ =	shalt  }
0x75: {  	_ =	shalt  }
0x76: {  	_ =	shalt  }
0x77: {  	_ =	shalt  }
0x78: {  	_ =	shalt  }
0x79: {  	_ =	shalt  }
0x7a: {  	_ =	shalt  }
0x7b: {  	_ =	shalt  }
0x7c: {  	_ =	shalt  }
0x7d: {  	_ =	shalt  }
0x7e: {  	_ =	shalt  }
0x7f: {  	_ =	shalt  }
0x80: {  	_ =	shalt  }
0x81: {  	_ =	shalt  }
0x82: {  	_ =	shalt  }
0x83: {  	_ =	shalt  }
0x84: {  	_ =	shalt  }
0x85: {  	_ =	shalt  }
0x86: {  	_ =	shalt  }
0x87: {  	_ =	shalt  }
.Lfunc_end0:
.L_simem_size_0:
called_computation.1_lowered:
.L_overlay_start_0:
0x88: {  	s2 =	sld [smem:$0x3FD9]  }
0x89: {  	s3 =	sld [smem:$0x3FFE];
	_ =	sdelay $0x1  }
0x8a: {  	s1 =	srdreg.scid  }
0x8b: {  	s0 =	sand.u32 $0x1, s1  }
0x8c: {  	s17 =	sshll.u32 s0, $0xA;
	s2 =	sadd.s32 s3, s2  }
0x8d: {  	s2 =	sadd.s32 s2, s17  }
0x8e: {  	[smem:$0x3FC5] =	sst s2  }
0x8f: {  	_ = 	snop  }
0x90: {  	(tm) =	ssettm $0x1  }
0x91: {  	s18 =	sld [smem:$0x3FFB];
	_ =	sdelay $0x3  }
0x92: {  	_ =	strace s18  }
0x93: {  	s2 =	sld [smem:$0x3FFC];
	_ =	sdelay $0x3  }
0x94: {  	_ =	strace s2  }
0x95: {  	s2 =	sld [smem:$0x3FFD];
	_ =	sdelay $0x3  }
0x96: {  	_ =	strace s2  }
0x97: {  	_ =	strace $0x8FFFFFFF  }
0x98: {  	s19 =	sld [smem:$0x3FDB];
	_ =	sdelay $0x1  }
0x99: {  	s20 =	simm.s32 $_scs_section_size  }
0x9a: {  	s4 =	simm.s32 $_size__tile_overlayer_lowered;
	s5 =	simm.s32 $_tile_overlayer_lowered  }
0x9b: {  	s6 =	simm.s32 $0x1BFF;
	s21 =	sshll.u32 s5, $0x1;
	s3 =	sadd.s32 s20, s19  }
0x9c: {  	s22 =	simm.s32 $0x0;
	s4 =	sshll.u32 s4, $0x1;
	s5 =	sadd.s32 s21, s3  }
0x9d: {  	[timem:s22], [sflag:s6] =	dma.local [hbm:s5], s4  }
0x9e: {  	_ =	swait.ge [sflag:s6], s4  }
0x9f: {  	s4 =	ssub.s32 $0x0, s4;
	[sflag:s6] =	ssyncset.done $0x0  }
0xa0: {  	[sflag:s6] =	ssyncadd.s32 s4;
	_ =	sdelay $0x1  }
0xa1: {  	s23 =	simm.s32 $0x1B8B  }
0xa2: {  	_ =	swait.ge [sflag:s23], $0x1  }
0xa3: {  	[sflag:s23] =	ssyncset.done $0x0  }
0xa4: {  	[sflag:s23] =	ssyncadd.s32 $0xFFFFFFFF  }
0xa5: {  	s4 =	sld [smem:$0x0]  }
0xa6: {  	s5 =	sand.u32 $0xFFFFFFFE, s1  }
0xa7: {  	p0 =	sne.s32 s1, s5  }
0xa8: {  	s5 =	sshll.u32 @p0 s5, $0xE  }
0xa9: {  	s5 =	sadd.s32 @p0 $0x11B8D, s5;
	s6 =	sshll.u32 @p0 s4, $0x11  }
0xaa: {  	s5 =	sor.u32 @p0 s6, s5  }
0xab: {  	[sflag:s5] =	ssyncadd.remote.s32 @p0 $0x1;
	_ =	sdelay $0x1  }
0xac: {  	s5 =	simm.s32 @p0 $0x1B8D  }
0xad: {  	_ =	swait.eq @p0 [sflag:s5], $0x1  }
0xae: {  	[sflag:s5] =	ssyncadd.s32 @p0 $0xFFFFFFFF  }
0xaf: {  	s6 =	sshll.u32 @!p0 s1, $0xE  }
0xb0: {  	s6 =	sor.u32 @!p0 $0x4000, s6;
	s5 =	simm.s32 @!p0 $0x1B8D  }
0xb1: {  	s4 =	sshll.u32 @!p0 s4, $0x11;
	s6 =	sadd.s32 @!p0 $0x11B8D, s6;
	_ =	swait.eq @!p0 [sflag:s5], $0x1  }
0xb2: {  	s4 =	sor.u32 @!p0 s4, s6;
	[sflag:s5] =	ssyncadd.s32 @!p0 $0xFFFFFFFF  }
0xb3: {  	s25 =	simm.s32 $0x1B8E;
	s24 =	sld [smem:$0x3FFE];
	[sflag:s4] =	ssyncadd.remote.s32 @!p0 $0x1  }
0xb4: {  	s26 =	simm.s32 $execute0_lowered;
	[smem:$0x3FD2] =	sst s25  }
0xb5: {  	s5 =	sshll.u32 s26, $0x1;
	_ =	strace $0x80000049;
	[dreg:$0x1] =	wrdreg $0xFFFFFFFF  }
0xb6: {  	s28 =	simm.s32 $_size_execute0_lowered;
	s3 =	sadd.s32 s3, s5;
	[dreg:$0x0] =	wrdreg $0x0  }
0xb7: {  	s5 =	sshll.u32 s28, $0x1;
	[dreg:$0x2] =	wrdreg s3  }
0xb8: {  	[dreg:$0x3] =	wrdreg s5  }
0xb9: {  	[dreg:$0x4] =	wrdreg $0xC0  }
0xba: {  	_ =	task [dreg:s22], $0x5FFFF  }
0xbb: {  	[dreg:$0x1] =	wrdreg $0xFFFFFFFF  }
0xbc: {  	[dreg:$0x0] =	wrdreg $0x60  }
0xbd: {  	[dreg:$0x2] =	wrdreg s24  }
0xbe: {  	[dreg:$0x3] =	wrdreg $0xC0000  }
0xbf: {  	[dreg:$0x4] =	wrdreg $0xA  }
0xc0: {  	_ =	task.clear_ibuf [dreg:s22], $0x5FFFF;
	_ =	strace $0x90000049  }
0xc1: {  	s29 =	simm.s32 $0xA;
	_ =	strace $0x8000004B  }
0xc2: {  	_ =	swait.ge [sflag:s29], $0x1  }
0xc3: {  	[sflag:s29] =	ssyncadd.s32 $0xFFFFFFFF  }
0xc4: {  	_ =	strace $0x9000004B  }
0xc5: {  	_ =	sfence  }
0xc6: {  	s30 =	sld [smem:$0x0];
	_ =	sdelay $0x2  }
0xc7: {  	s31 =	sshll.u32 s1, $0xD;
	s1 =	sshrl.u32 s1, $0x2  }
0xc8: {  	s4 =	sand.u32 $0x4000, s31;
	s1 =	sadd.s32 s1, s30  }
0xc9: {  	s0 =	sor.u32 s4, s0;
	s1 =	sshll.u32 s1, $0x11  }
0xca: {  	s0 =	sor.u32 s1, s0  }
0xcb: {  	s0 =	sadd.s32 $0x8F2B, s0  }
0xcc: {  	[sflag:s0] =	ssyncadd.remote.s32 $0x1  }
0xcd: {  	_ =	sfence.sel $0xFFFF  }
0xce: {  	[dreg:$0x0] =	wrdreg $0xFFFFFFFF;
	(pc) =	sbr.abs _section_cstart, $3  }
0xcf: {  	[dreg:$0x1] =	wrdreg $0xFFFFFFFF  }
0xd0: {  	_ =	task.clear_ibuf [dreg:s22], $0x2FFFF;
	_ =	strace $0x9FFFFFFF  }
0xd1: {  	(tm) =	ssettm $0x7FFFFFFF  }
tec
execute0_lowered:
.L_overlay_start_1:
0x0: {  	(tag) =	ssettag $0x1  }
0x1: {  	s0 =	rddreg [dreg:$0x0]  }
0x2: {  	s1 =	rddreg [dreg:$0x1]  }
0x3: {  	s3 =	simm.s32 $0x0;
	s2 =	srdreg.scid;
	s7 =	stileid.u32  }
0x4: {  	s18 =	simm.s32 $0x6;
	s20 =	simm.s32 $0x800;
	s29 =	simm.s32 $0x9800  }
0x5: {  	s30 =	simm.s32 $0x2;
	s31 =	simm.s32 $0xB000;
	s28 =	simm.s32 $0xB800  }
0x6: {  	s19 =	simm.s32 $0x5;
	[smem:$0x7FF] =	sst s3;
	s2 =	sand.u32 $0x1, s2  }
0x7: {  	s4 =	sshll.u32 s7, $0xC;
	s22 =	sshll.u32 s7, $0xF;
	s24 =	sshll.u32 s7, $0x6  }
0x8: {  	_ =	strace $0x8000004A;
	s5 =	sshll.u32 s2, $0xB;
	s2 =	ssub.s32 $0x2, s2  }
0x9: {  	s6 =	sadd.s32 s4, s0;
	s4 =	sor.u32 s5, s4;
	s21 =	sshrl.u32 s2, $0x1  }
0xa: {  	s23 =	sadd.s32 $0x2800, s6;
	s5 =	sor.u32 $0x1C06, s24;
	s24 =	simm.s32 $0xA800  }
0xb: {  	s0 =	sadd.s32 s4, s0;
	s2 =	ssub.s32 s2, s21;
	[dreg:$0x3] =	wrdreg s23  }
0xc: {  	s4 =	sadd.s32 s22, s1;
	[dreg:$0x4] =	wrdreg s5;
	s21 =	simm.s32 $0x8000  }
0xd: {  	s22 =	simm.s32 $0x8800;
	s23 =	simm.s32 $0x4;
	s25 =	sadd.s32 $0x12800, s0  }
0xe: {  	s26 =	sadd.s32 $0x22800, s0;
	s8 =	sadd.s32 $0x32800, s0;
	s9 =	sadd.s32 $0x32900, s0  }
0xf: {  	s10 =	sadd.s32 $0x32A00, s0;
	s11 =	sadd.s32 $0x32B00, s0;
	s12 =	sadd.s32 $0x32C00, s0  }
0x10: {  	s13 =	sadd.s32 $0x32D00, s0;
	s14 =	sadd.s32 $0x32E00, s0;
	s15 =	sadd.s32 $0x32F00, s0  }
0x11: {  	s16 =	smax.u32 s2, $0x1;
	s17 =	sshrl.u32 s4, $0x3;
	s0 =	simm.s32 $0xA000  }
0x12: {  	s2 =	simm.s32 $0x3;
	s4 =	simm.s32 $0x0;
	[dreg:$0x5] =	wrdreg s25  }
0x13: {  	[dreg:$0x6] =	wrdreg s26;
	s25 =	simm.s32 $0x9000;
	s26 =	simm.s32 $0x1  }
.LBB2_1:
0x14: {  	s5 =	rddreg [dreg:$0x3]  }
0x15: {  	s6 =	rddreg [dreg:$0x4]  }
0x16: {  	[spmem:s17], [sflag:s6] =	dma.local [hbm:s5], $0x1000  }
0x17: {  	_ =	swait.ge [sflag:s18], $0x1000  }
0x18: {  	[sflag:s18] =	ssyncset.done $0x0  }
0x19: {  	s7 =	rddreg [dreg:$0x5];
	[sflag:s18] =	ssyncadd.s32 $0xFFFFF000  }
0x1a: {  	[tilespmem:s3], [sflag:$0x6] =	stream.linear.gather [hbm4b:s7+s3], $0x4000, $0x38;
	[tilespmem:$0x14000] =	vst v63  }
0x1b: {  	_ =	swait.ge [sflag:s18], $0x4000  }
0x1c: {  	[sflag:s18] =	ssyncset.done $0x0  }
0x1d: {  	s7 =	simm.s32 $0x4000;
	s6 =	rddreg [dreg:$0x6];
	[sflag:s18] =	ssyncadd.s32 $0xFFFFC000  }
0x1e: {  	[tilespmem:s7], [sflag:$0x4] =	stream.linear.gather [hbm4b:s6+s3], $0x4000, $0x38;
	[tilespmem:$0x14000] =	vst v63  }
0x1f: {  	[bflag:$0x0] =	sbarrier.arrive $0xFFFF  }
0x20: {  	[tilespmem:s21], [sflag:$0x1] =	stream.indirect.gather [spmem:s1], $0x1, s3, s20, $0xb8;
	[tilespmem:$0x14000] =	vst v63  }
0x21: {  	_ = 	snop  }
0x22: {  	[tilespmem:s22], [sflag:$0x2] =	stream.indirect.gather [spmem:s1], $0x1, s20, s20, $0xb8;
	[tilespmem:$0x14000] =	vst v63  }
0x23: {  	_ =	swait.ge [sflag:s23], $0x4000  }
0x24: {  	[sflag:s23] =	ssyncset.done $0x0  }
0x25: {  	s7 =	simm.s32 $0x1000;
	[sflag:s23] =	ssyncadd.s32 $0xFFFFC000  }
0x26: {  	[tilespmem:s25], [sflag:$0x3] =	stream.indirect.gather [spmem:s1], $0x1, s7, s20, $0xb8;
	[tilespmem:$0x14000] =	vst v63  }
0x27: {  	_ =	swait.ge [sflag:s26], $0x800  }
0x28: {  	[sflag:s26] =	ssyncset.done $0x0  }
0x29: {  	s5 =	simm.s32 $0x0;
	[sflag:s26] =	ssyncadd.s32 $0xFFFFF800  }
0x2a: {  	s6 =	simm.s32 $0x40;
	v0 =	vld [tilespmem:s5+$0x4000]  }
.LBB2_2:
0x2b: {  	p0 =	sne.s32 s6, $0x1FC0;
	v1 =	vld [tilespmem:s5+$0x8000];
	_ =	sdelay $0x1  }
.Ltmp0:
0x2c: {  	(pc) =	sbr.rel @p0 .LBB2_2-.Ltmp0, $3  }
0x2d: {  	_ =	sdelay $0x1  }
0x2e: {  	s7 =	sshra.s32 s6, $0x2;
	v1 =	vand.u32 v1, v0  }
0x2f: {  	s6 =	sadd.s32 $0x40, s6;
	v0 =	vld [tilespmem:s7+$0x4000];
	[tilespmem:s5+$0x8000] =	vst v1;
	s5 =	smov.u32 s7  }
0x30: {  	v1 =	vld [tilespmem:s5+$0x8000];
	_ =	sdelay $0x4  }
0x31: {  	v0 =	vand.u32 v1, v0  }
0x32: {  	s6 =	simm.s32 $0x0;
	[tilespmem:s5+$0x8000] =	vst v0  }
0x33: {  	[hbm4b:s8+s6] =	stream.linear.scatter [tilespmem:s21], [sflag:$0x5], $0x800, $0x38;
	[tilespmem:$0x14000] =	vst v63  }
0x34: {  	s7 =	simm.s32 $0x1800  }
0x35: {  	[tilespmem:s29], [sflag:$0x1] =	stream.indirect.gather [spmem:s1], $0x1, s7, s20, $0xb8;
	[tilespmem:$0x14000] =	vst v63  }
0x36: {  	_ =	swait.ge [sflag:s30], $0x800  }
0x37: {  	[sflag:s30] =	ssyncset.done $0x0  }
0x38: {  	s5 =	simm.s32 $0x0;
	[sflag:s30] =	ssyncadd.s32 $0xFFFFF800  }
0x39: {  	s6 =	simm.s32 $0x40;
	v0 =	vld [tilespmem:s5+$0x4800]  }
.LBB2_4:
0x3a: {  	p0 =	sne.s32 s6, $0x1FC0;
	v1 =	vld [tilespmem:s5+$0x8800];
	_ =	sdelay $0x1  }
.Ltmp1:
0x3b: {  	(pc) =	sbr.rel @p0 .LBB2_4-.Ltmp1, $3  }
0x3c: {  	_ =	sdelay $0x1  }
0x3d: {  	s7 =	sshra.s32 s6, $0x2;
	v1 =	vand.u32 v1, v0  }
0x3e: {  	s6 =	sadd.s32 $0x40, s6;
	v0 =	vld [tilespmem:s7+$0x4800];
	[tilespmem:s5+$0x8800] =	vst v1;
	s5 =	smov.u32 s7  }
0x3f: {  	v1 =	vld [tilespmem:s5+$0x8800];
	_ =	sdelay $0x4  }
0x40: {  	v0 =	vand.u32 v1, v0  }
0x41: {  	s6 =	simm.s32 $0x0;
	[tilespmem:s5+$0x8800] =	vst v0  }
0x42: {  	[hbm4b:s9+s6] =	stream.linear.scatter [tilespmem:s22], [sflag:$0x5], $0x800, $0x38;
	[tilespmem:$0x14000] =	vst v63  }
0x43: {  	s7 =	simm.s32 $0x2000  }
0x44: {  	[tilespmem:s0], [sflag:$0x2] =	stream.indirect.gather [spmem:s1], $0x1, s7, s20, $0xb8;
	[tilespmem:$0x14000] =	vst v63  }
0x45: {  	_ =	swait.ge [sflag:s2], $0x800  }
0x46: {  	[sflag:s2] =	ssyncset.done $0x0  }
0x47: {  	s5 =	simm.s32 $0x0;
	[sflag:s2] =	ssyncadd.s32 $0xFFFFF800  }
0x48: {  	s6 =	simm.s32 $0x40;
	v0 =	vld [tilespmem:s5+$0x5000]  }
.LBB2_6:
0x49: {  	p0 =	sne.s32 s6, $0x1FC0;
	v1 =	vld [tilespmem:s5+$0x9000];
	_ =	sdelay $0x1  }
.Ltmp2:
0x4a: {  	(pc) =	sbr.rel @p0 .LBB2_6-.Ltmp2, $3  }
0x4b: {  	_ =	sdelay $0x1  }
0x4c: {  	s7 =	sshra.s32 s6, $0x2;
	v1 =	vand.u32 v1, v0  }
0x4d: {  	s6 =	sadd.s32 $0x40, s6;
	v0 =	vld [tilespmem:s7+$0x5000];
	[tilespmem:s5+$0x9000] =	vst v1;
	s5 =	smov.u32 s7  }
0x4e: {  	v1 =	vld [tilespmem:s5+$0x9000];
	_ =	sdelay $0x4  }
0x4f: {  	v0 =	vand.u32 v1, v0  }
0x50: {  	s6 =	simm.s32 $0x0;
	[tilespmem:s5+$0x9000] =	vst v0  }
0x51: {  	[hbm4b:s10+s6] =	stream.linear.scatter [tilespmem:s25], [sflag:$0x5], $0x800, $0x38;
	[tilespmem:$0x14000] =	vst v63  }
0x52: {  	s7 =	simm.s32 $0x2800  }
0x53: {  	[tilespmem:s24], [sflag:$0x3] =	stream.indirect.gather [spmem:s1], $0x1, s7, s20, $0xb8;
	[tilespmem:$0x14000] =	vst v63  }
0x54: {  	_ =	swait.ge [sflag:s26], $0x800  }
0x55: {  	[sflag:s26] =	ssyncset.done $0x0  }
0x56: {  	s5 =	simm.s32 $0x0;
	[sflag:s26] =	ssyncadd.s32 $0xFFFFF800  }
0x57: {  	s6 =	simm.s32 $0x40;
	v0 =	vld [tilespmem:s5+$0x5800]  }
.LBB2_8:
0x58: {  	p0 =	sne.s32 s6, $0x1FC0;
	v1 =	vld [tilespmem:s5+$0x9800];
	_ =	sdelay $0x1  }
.Ltmp3:
0x59: {  	(pc) =	sbr.rel @p0 .LBB2_8-.Ltmp3, $3  }
0x5a: {  	_ =	sdelay $0x1  }
0x5b: {  	s7 =	sshra.s32 s6, $0x2;
	v1 =	vand.u32 v1, v0  }
0x5c: {  	s6 =	sadd.s32 $0x40, s6;
	v0 =	vld [tilespmem:s7+$0x5800];
	[tilespmem:s5+$0x9800] =	vst v1;
	s5 =	smov.u32 s7  }
0x5d: {  	v1 =	vld [tilespmem:s5+$0x9800];
	_ =	sdelay $0x4  }
0x5e: {  	v0 =	vand.u32 v1, v0  }
0x5f: {  	s6 =	simm.s32 $0x0;
	[tilespmem:s5+$0x9800] =	vst v0  }
0x60: {  	[hbm4b:s11+s6] =	stream.linear.scatter [tilespmem:s29], [sflag:$0x5], $0x800, $0x38;
	[tilespmem:$0x14000] =	vst v63  }
0x61: {  	s7 =	simm.s32 $0x3000  }
0x62: {  	[tilespmem:s31], [sflag:$0x1] =	stream.indirect.gather [spmem:s1], $0x1, s7, s20, $0xb8;
	[tilespmem:$0x14000] =	vst v63  }
0x63: {  	_ =	swait.ge [sflag:s30], $0x800  }
0x64: {  	[sflag:s30] =	ssyncset.done $0x0  }
0x65: {  	s5 =	simm.s32 $0x0;
	[sflag:s30] =	ssyncadd.s32 $0xFFFFF800  }
0x66: {  	s6 =	simm.s32 $0x40;
	v0 =	vld [tilespmem:s5+$0x6000]  }
.LBB2_10:
0x67: {  	p0 =	sne.s32 s6, $0x1FC0;
	v1 =	vld [tilespmem:s5+$0xA000];
	_ =	sdelay $0x1  }
.Ltmp4:
0x68: {  	(pc) =	sbr.rel @p0 .LBB2_10-.Ltmp4, $3  }
0x69: {  	_ =	sdelay $0x1  }
0x6a: {  	s7 =	sshra.s32 s6, $0x2;
	v1 =	vand.u32 v1, v0  }
0x6b: {  	s6 =	sadd.s32 $0x40, s6;
	v0 =	vld [tilespmem:s7+$0x6000];
	[tilespmem:s5+$0xA000] =	vst v1;
	s5 =	smov.u32 s7  }
0x6c: {  	v1 =	vld [tilespmem:s5+$0xA000];
	_ =	sdelay $0x4  }
0x6d: {  	v0 =	vand.u32 v1, v0  }
0x6e: {  	s6 =	simm.s32 $0x0;
	[tilespmem:s5+$0xA000] =	vst v0  }
0x6f: {  	[hbm4b:s12+s6] =	stream.linear.scatter [tilespmem:s0], [sflag:$0x5], $0x800, $0x38;
	[tilespmem:$0x14000] =	vst v63  }
0x70: {  	s7 =	simm.s32 $0x3800  }
0x71: {  	[tilespmem:s28], [sflag:$0x2] =	stream.indirect.gather [spmem:s1], $0x1, s7, s20, $0xb8;
	[tilespmem:$0x14000] =	vst v63  }
0x72: {  	_ =	swait.ge [sflag:s2], $0x800  }
0x73: {  	[sflag:s2] =	ssyncset.done $0x0  }
0x74: {  	s5 =	simm.s32 $0x0;
	[sflag:s2] =	ssyncadd.s32 $0xFFFFF800  }
0x75: {  	s6 =	simm.s32 $0x40;
	v0 =	vld [tilespmem:s5+$0x6800]  }
.LBB2_12:
0x76: {  	p0 =	sne.s32 s6, $0x1FC0;
	v1 =	vld [tilespmem:s5+$0xA800];
	_ =	sdelay $0x1  }
.Ltmp5:
0x77: {  	(pc) =	sbr.rel @p0 .LBB2_12-.Ltmp5, $3  }
0x78: {  	_ =	sdelay $0x1  }
0x79: {  	s7 =	sshra.s32 s6, $0x2;
	v1 =	vand.u32 v1, v0  }
0x7a: {  	s6 =	sadd.s32 $0x40, s6;
	v0 =	vld [tilespmem:s7+$0x6800];
	[tilespmem:s5+$0xA800] =	vst v1;
	s5 =	smov.u32 s7  }
0x7b: {  	v1 =	vld [tilespmem:s5+$0xA800];
	_ =	sdelay $0x4  }
0x7c: {  	v0 =	vand.u32 v1, v0  }
0x7d: {  	s7 =	simm.s32 $0x0;
	[tilespmem:s5+$0xA800] =	vst v0  }
0x7e: {  	[hbm4b:s13+s7] =	stream.linear.scatter [tilespmem:s24], [sflag:$0x5], $0x800, $0x38;
	[tilespmem:$0x14000] =	vst v63  }
0x7f: {  	_ =	swait.ge [sflag:s26], $0x800  }
0x80: {  	[sflag:s26] =	ssyncset.done $0x0  }
0x81: {  	s5 =	simm.s32 $0x0;
	[sflag:s26] =	ssyncadd.s32 $0xFFFFF800  }
0x82: {  	s6 =	simm.s32 $0x40;
	v0 =	vld [tilespmem:s5+$0x7000]  }
.LBB2_14:
0x83: {  	p0 =	sne.s32 s6, $0x1FC0;
	v1 =	vld [tilespmem:s5+$0xB000];
	_ =	sdelay $0x1  }
.Ltmp6:
0x84: {  	(pc) =	sbr.rel @p0 .LBB2_14-.Ltmp6, $3  }
0x85: {  	_ =	sdelay $0x1  }
0x86: {  	s7 =	sshra.s32 s6, $0x2;
	v1 =	vand.u32 v1, v0  }
0x87: {  	s6 =	sadd.s32 $0x40, s6;
	v0 =	vld [tilespmem:s7+$0x7000];
	[tilespmem:s5+$0xB000] =	vst v1;
	s5 =	smov.u32 s7  }
0x88: {  	v1 =	vld [tilespmem:s5+$0xB000];
	_ =	sdelay $0x4  }
0x89: {  	v0 =	vand.u32 v1, v0  }
0x8a: {  	s7 =	simm.s32 $0x0;
	[tilespmem:s5+$0xB000] =	vst v0  }
0x8b: {  	[hbm4b:s14+s7] =	stream.linear.scatter [tilespmem:s31], [sflag:$0x5], $0x800, $0x38;
	[tilespmem:$0x14000] =	vst v63  }
0x8c: {  	_ =	swait.ge [sflag:s30], $0x800  }
0x8d: {  	[sflag:s30] =	ssyncset.done $0x0  }
0x8e: {  	s5 =	simm.s32 $0x0;
	[sflag:s30] =	ssyncadd.s32 $0xFFFFF800  }
0x8f: {  	s6 =	simm.s32 $0x40;
	v0 =	vld [tilespmem:s5+$0x7800]  }
.LBB2_16:
0x90: {  	p0 =	sne.s32 s6, $0x1FC0;
	v1 =	vld [tilespmem:s5+$0xB800];
	_ =	sdelay $0x1  }
.Ltmp7:
0x91: {  	(pc) =	sbr.rel @p0 .LBB2_16-.Ltmp7, $3  }
0x92: {  	_ =	sdelay $0x1  }
0x93: {  	s7 =	sshra.s32 s6, $0x2;
	v1 =	vand.u32 v1, v0  }
0x94: {  	s6 =	sadd.s32 $0x40, s6;
	v0 =	vld [tilespmem:s7+$0x7800];
	[tilespmem:s5+$0xB800] =	vst v1;
	s5 =	smov.u32 s7  }
0x95: {  	v1 =	vld [tilespmem:s5+$0xB800];
	_ =	sdelay $0x4  }
0x96: {  	v0 =	vand.u32 v1, v0  }
0x97: {  	[tilespmem:s5+$0xB800] =	vst v0  }
0x98: {  	[hbm4b:s15+s3] =	stream.linear.scatter [tilespmem:s28], [sflag:$0x5], $0x800, $0x38;
	[tilespmem:$0x14000] =	vst v63  }
0x99: {  	_ =	swait.ge [sflag:s19], $0x800  }
0x9a: {  	[sflag:s19] =	ssyncset.done $0x0  }
0x9b: {  	[sflag:s19] =	ssyncadd.s32 $0xFFFFF800  }
0x9c: {  	_ =	swait.ge [sflag:s19], $0x800  }
0x9d: {  	[sflag:s19] =	ssyncset.done $0x0  }
0x9e: {  	[sflag:s19] =	ssyncadd.s32 $0xFFFFF800  }
0x9f: {  	_ =	swait.ge [sflag:s19], $0x800  }
0xa0: {  	[sflag:s19] =	ssyncset.done $0x0  }
0xa1: {  	[sflag:s19] =	ssyncadd.s32 $0xFFFFF800  }
0xa2: {  	_ =	swait.ge [sflag:s19], $0x800  }
0xa3: {  	[sflag:s19] =	ssyncset.done $0x0  }
0xa4: {  	[sflag:s19] =	ssyncadd.s32 $0xFFFFF800  }
0xa5: {  	_ =	swait.ge [sflag:s19], $0x800  }
0xa6: {  	[sflag:s19] =	ssyncset.done $0x0  }
0xa7: {  	[sflag:s19] =	ssyncadd.s32 $0xFFFFF800  }
0xa8: {  	_ =	swait.ge [sflag:s19], $0x800  }
0xa9: {  	[sflag:s19] =	ssyncset.done $0x0  }
0xaa: {  	s4 =	sadd.s32 $0x1, s4;
	[sflag:s19] =	ssyncadd.s32 $0xFFFFF800  }
0xab: {  	p0 =	sne.s32 s4, s16;
	_ =	swait.ge [sflag:s19], $0x800  }
.Ltmp8:
0xac: {  	[sflag:s19] =	ssyncset.done $0x0;
	(pc) =	sbr.rel @p0 .LBB2_1-.Ltmp8, $4  }
0xad: {  	[sflag:s19] =	ssyncadd.s32 $0xFFFFF800  }
0xae: {  	_ =	swait.ge [sflag:s19], $0x800  }
0xaf: {  	[sflag:s19] =	ssyncset.done $0x0  }
0xb0: {  	[sflag:s19] =	ssyncadd.s32 $0xFFFFF800  }
0xb1: {  	_ =	sfence.sel $0x180000  }
0xb2: {  	[bflag:$0x0] =	sbarrier.arrive $0xFFFF  }
0xb3: {  	_ =	strace $0x9000004A  }
0xb4: {  	s0 =	stileid.u32;
	[bflag:$0x2] =	sbarrier.arrive $0xFFFF  }
0xb5: {  	p0 =	sne.s32 s0, $0x0;
	s0 =	rddreg [dreg:$0x2]  }
0xb6: {  	s0 =	sadd.s32 @!p0 $0x100000, s0  }
0xb7: {  	[sflag:s0] =	ssyncadd.tile.s32 @!p0 $0x1;
	_ =	shalt  }
.Lfunc_end2:
_tile_overlayer_lowered:
.L_overlay_start_2:
0xb8: {  	(tag) =	ssettag $0x2  }
0xb9: {  	s0 =	rddreg [dreg:$0x0];
	s2 =	stileid.u32  }
0xba: {  	s1 =	rddreg [dreg:$0x1];
	p0 =	sne.s32 s2, $0x0  }
0xbb: {  	s3 =	rddreg [dreg:$0x2];
	[bflag:$0x3] =	sbarrier.arrive $0xFFFF;
	s2 =	simm.s32 @!p0 $0x1C06  }
0xbc: {  	[timem:s3], [sflag:s2] =	dma.local @!p0 [hbm:s0], s1  }
0xbd: {  	s0 =	simm.s32 @!p0 $0x6  }
0xbe: {  	_ =	swait.ge @!p0 [sflag:s0], s1  }
0xbf: {  	s1 =	ssub.s32 @!p0 $0x0, s1;
	[sflag:s0] =	ssyncset.done @!p0 $0x0  }
0xc0: {  	[sflag:s0] =	ssyncadd.s32 @!p0 s1  }
0xc1: {  	[bflag:$0x3] =	sbarrier.arrive $0xFFFF  }
0xc2: {  	_ =	shalt  }

// kernel: kernel.7.cloned.1.call-start
scs
__scs_entry_jumppad:
0x0: {  	(pc) =	sbr.rel $0x88, $3  }
0x1: {  	(tag) =	ssettag $0x0;
	lr =	simm.s32 $0x1  }
0x2: {  	[smem:$0x3F9E] =	sst lr;
	_ =	strace $0xD0000000  }
0x3: {  	_ = 	snop  }
0x4: {  	_ = 	snop  }
0x5: {  	_ = 	snop  }
0x6: {  	_ = 	snop  }
0x7: {  	_ = 	snop  }
__scs_overlays_trampoline_lowered:
0x8: {  	[smem:$0x3FAD] =	sst s0  }
0x9: {  	[smem:$0x3FAE] =	sst s1  }
0xa: {  	[smem:$0x3FAF] =	sst s2  }
0xb: {  	[smem:$0x3FB0] =	sst s3  }
0xc: {  	[smem:$0x3FB1] =	sst s4  }
0xd: {  	[smem:$0x3FB2] =	sst s5  }
0xe: {  	[smem:$0x3FB3] =	sst s6  }
0xf: {  	[smem:$0x3FB4] =	sst s7  }
0x10: {  	[smem:$0x3FB5] =	sst s8  }
0x11: {  	[smem:$0x3FB6] =	sst s9;
	s0 =	simm.s32 @!p0 $0x0  }
0x12: {  	s1 =	sld [smem:$0x3F9C];
	s0 =	simm.s32 @p0 $0x1  }
0x13: {  	[smem:$0x3FB7] =	sst s0;
	s0 =	simm.s32 @!p1 $0x0  }
0x14: {  	s2 =	sld [smem:$0x3F9B];
	s0 =	simm.s32 @p1 $0x1  }
0x15: {  	[smem:$0x3FB8] =	sst s0;
	s0 =	simm.s32 @!p2 $0x0  }
0x16: {  	s3 =	sld [smem:$0x3FDB];
	s0 =	simm.s32 @p2 $0x1  }
0x17: {  	s4 =	simm.s32 $0x1BF5;
	[smem:$0x3FBA] =	sst s0  }
0x18: {  	s0 =	sld [smem:$0x3F9D];
	_ =	swait.ge [sflag:s4], $0x0  }
0x19: {  	s7 =	sld [smem:$0x3F9E]  }
0x1a: {  	s8 =	sadd.s32 $0xFFFFE003, lr  }
0x1b: {  	s9 =	sadd.s32 $0xFFFFFEF7, lr;
	s5 =	simm.s32 $0xFFFFFFFF;
	p2 =	slt.u32 s8, $0xFFFFF086  }
0x1c: {  	p1 =	slt.u32 s9, $0xF7A;
	s5 =	simm.s32 @!p2 $0x0  }
0x1d: {  	s5 =	simm.s32 @p1 $0x1;
	p0 =	seq.s32 s7, s2  }
0x1e: {  	s7 =	smul.u32 @!p0 $0xF7A, s2;
	p2 =	seq.s32 @!p0 s5, $0x0  }
0x1f: {  	s9 =	smul.u32 $0xF7A, s1;
	s8 =	simm.s32 @!p0 $0x1BF5;
	p2 =	por !p2, p0  }
0x20: {  	[sflag:s8] =	ssyncset.s32 @!p0 $0xFFFFF086;
	s6 =	sadd.s32 @!p0 s3, s7;
	s7 =	simm.s32 @!p0 $0x108  }
0x21: {  	s3 =	sadd.s32 s3, s9;
	s6 =	sadd.s32 @!p0 $0x88, s6;
	s7 =	simm.s32 @p2 $0x1082  }
0x22: {  	[simem:s7], [sflag:s8] =	dma.local @!p0 [hbm:s6], $0xF7A  }
0x23: {  	s9 =	sor.u32 $0xD0000000, s2;
	s6 =	simm.s32 $0x108;
	_ =	swait.ge @!p0 [sflag:s8], $0x0  }
0x24: {  	s3 =	sadd.s32 $0x88, s3;
	s6 =	simm.s32 @!p1 $0x1082;
	[sflag:s4] =	ssyncset.s32 $0xFFFFF086  }
0x25: {  	[simem:s6], [sflag:s4] =	dma.local [hbm:s3], $0xF7A  }
0x26: {  	[smem:$0x3F9E] =	sst s1;
	(tag) =	ssettag s2;
	_ =	strace s9  }
0x27: {  	s1 =	sld [smem:$0x3FAE]  }
0x28: {  	s2 =	sld [smem:$0x3FAF]  }
0x29: {  	s4 =	sld [smem:$0x3FB1]  }
0x2a: {  	p0 =	seq.s32 s5, $0x0;
	s5 =	sld [smem:$0x3FB2]  }
0x2b: {  	s6 =	sld [smem:$0x3FB3]  }
0x2c: {  	s7 =	sld [smem:$0x3FB4]  }
0x2d: {  	s3 =	simm.s32 $0x108;
	s8 =	sld [smem:$0x3FB5]  }
0x2e: {  	s3 =	simm.s32 @!p0 $0x1082;
	s9 =	sld [smem:$0x3FB6]  }
0x2f: {  	lr =	sadd.s32 s0, s3;
	s0 =	sld [smem:$0x3FAD]  }
0x30: {  	s3 =	sld [smem:$0x3FB0]  }
0x31: {  	[smem:$0x3FB9] =	sst s10  }
0x32: {  	s10 =	sld [smem:$0x3FB7];
	_ =	sdelay $0x3  }
0x33: {  	p0 =	seq.s32 s10, $0x1;
	s10 =	sld [smem:$0x3FB9];
	_ =	sdelay $0x3  }
0x34: {  	[smem:$0x3FB9] =	sst s10  }
0x35: {  	s10 =	sld [smem:$0x3FB8];
	_ =	sdelay $0x3  }
0x36: {  	p1 =	seq.s32 s10, $0x1;
	s10 =	sld [smem:$0x3FB9];
	_ =	sdelay $0x3  }
0x37: {  	[smem:$0x3FB9] =	sst s10  }
0x38: {  	s10 =	sld [smem:$0x3FBA]  }
0x39: {  	_ = 	snop;
	(pc) =	sbr.ind lr, $3  }
0x3a: {  	_ = 	snop  }
0x3b: {  	_ = 	snop  }
0x3c: {  	p2 =	seq.s32 s10, $0x1;
	s10 =	sld [smem:$0x3FB9]  }
0x3d: {  	_ =	shalt  }
0x3e: {  	_ =	shalt  }
0x3f: {  	_ =	shalt  }
0x40: {  	_ =	shalt  }
0x41: {  	_ =	shalt  }
0x42: {  	_ =	shalt  }
0x43: {  	_ =	shalt  }
0x44: {  	_ =	shalt  }
0x45: {  	_ =	shalt  }
0x46: {  	_ =	shalt  }
0x47: {  	_ =	shalt  }
0x48: {  	_ =	shalt  }
0x49: {  	_ =	shalt  }
0x4a: {  	_ =	shalt  }
0x4b: {  	_ =	shalt  }
0x4c: {  	_ =	shalt  }
0x4d: {  	_ =	shalt  }
0x4e: {  	_ =	shalt  }
0x4f: {  	_ =	shalt  }
0x50: {  	_ =	shalt  }
0x51: {  	_ =	shalt  }
0x52: {  	_ =	shalt  }
0x53: {  	_ =	shalt  }
0x54: {  	_ =	shalt  }
0x55: {  	_ =	shalt  }
0x56: {  	_ =	shalt  }
0x57: {  	_ =	shalt  }
0x58: {  	_ =	shalt  }
0x59: {  	_ =	shalt  }
0x5a: {  	_ =	shalt  }
0x5b: {  	_ =	shalt  }
0x5c: {  	_ =	shalt  }
0x5d: {  	_ =	shalt  }
0x5e: {  	_ =	shalt  }
0x5f: {  	_ =	shalt  }
0x60: {  	_ =	shalt  }
0x61: {  	_ =	shalt  }
0x62: {  	_ =	shalt  }
0x63: {  	_ =	shalt  }
0x64: {  	_ =	shalt  }
0x65: {  	_ =	shalt  }
0x66: {  	_ =	shalt  }
0x67: {  	_ =	shalt  }
0x68: {  	_ =	shalt  }
0x69: {  	_ =	shalt  }
0x6a: {  	_ =	shalt  }
0x6b: {  	_ =	shalt  }
0x6c: {  	_ =	shalt  }
0x6d: {  	_ =	shalt  }
0x6e: {  	_ =	shalt  }
0x6f: {  	_ =	shalt  }
0x70: {  	_ =	shalt  }
0x71: {  	_ =	shalt  }
0x72: {  	_ =	shalt  }
0x73: {  	_ =	shalt  }
0x74: {  	_ =	shalt  }
0x75: {  	_ =	shalt  }
0x76: {  	_ =	shalt  }
0x77: {  	_ =	shalt  }
0x78: {  	_ =	shalt  }
0x79: {  	_ =	shalt  }
0x7a: {  	_ =	shalt  }
0x7b: {  	_ =	shalt  }
0x7c: {  	_ =	shalt  }
0x7d: {  	_ =	shalt  }
0x7e: {  	_ =	shalt  }
0x7f: {  	_ =	shalt  }
0x80: {  	_ =	shalt  }
0x81: {  	_ =	shalt  }
0x82: {  	_ =	shalt  }
0x83: {  	_ =	shalt  }
0x84: {  	_ =	shalt  }
0x85: {  	_ =	shalt  }
0x86: {  	_ =	shalt  }
0x87: {  	_ =	shalt  }
.Lfunc_end0:
.L_simem_size_0:
called_computation_lowered:
.L_overlay_start_0:
0x88: {  	s2 =	sld [smem:$0x3FD9]  }
0x89: {  	s3 =	sld [smem:$0x3FFE];
	_ =	sdelay $0x1  }
0x8a: {  	s1 =	srdreg.scid  }
0x8b: {  	s0 =	sand.u32 $0x1, s1  }
0x8c: {  	s16 =	sshll.u32 s0, $0xA;
	s2 =	sadd.s32 s3, s2  }
0x8d: {  	s2 =	sadd.s32 s2, s16  }
0x8e: {  	[smem:$0x3FC5] =	sst s2  }
0x8f: {  	_ = 	snop  }
0x90: {  	(tm) =	ssettm $0x1  }
0x91: {  	s17 =	sld [smem:$0x3FFB];
	_ =	sdelay $0x3  }
0x92: {  	_ =	strace s17  }
0x93: {  	s2 =	sld [smem:$0x3FFC];
	_ =	sdelay $0x3  }
0x94: {  	_ =	strace s2  }
0x95: {  	s2 =	sld [smem:$0x3FFD];
	_ =	sdelay $0x3  }
0x96: {  	_ =	strace s2  }
0x97: {  	_ =	strace $0x8FFFFFFF  }
0x98: {  	s18 =	sld [smem:$0x3FDB];
	_ =	sdelay $0x1  }
0x99: {  	s19 =	simm.s32 $_scs_section_size  }
0x9a: {  	s4 =	simm.s32 $_size__tile_overlayer_lowered;
	s5 =	simm.s32 $_tile_overlayer_lowered  }
0x9b: {  	s22 =	simm.s32 $0x1BFF;
	s21 =	sshll.u32 s5, $0x1;
	s2 =	sadd.s32 s19, s18  }
0x9c: {  	s6 =	simm.s32 $0x0;
	s20 =	sshll.u32 s4, $0x1;
	s4 =	sadd.s32 s21, s2  }
0x9d: {  	[timem:s6], [sflag:s22] =	dma.local [hbm:s4], s20  }
0x9e: {  	_ =	swait.ge [sflag:s22], s20  }
0x9f: {  	s3 =	ssub.s32 $0x0, s20;
	[sflag:s22] =	ssyncset.done $0x0  }
0xa0: {  	[sflag:s22] =	ssyncadd.s32 s3;
	_ =	sdelay $0x1  }
0xa1: {  	s23 =	simm.s32 $0x1B8B  }
0xa2: {  	_ =	swait.ge [sflag:s23], $0x1  }
0xa3: {  	[sflag:s23] =	ssyncset.done $0x0  }
0xa4: {  	s25 =	simm.s32 $0x1B8E;
	s24 =	sld [smem:$0x3FFE];
	[sflag:s23] =	ssyncadd.s32 $0xFFFFFFFF  }
0xa5: {  	s26 =	simm.s32 $execute0_lowered;
	[smem:$0x3FD2] =	sst s25  }
0xa6: {  	s4 =	sshll.u32 s26, $0x1;
	_ =	strace $0x80000046;
	[dreg:$0x1] =	wrdreg $0xFFFFFFFF  }
0xa7: {  	s28 =	simm.s32 $_size_execute0_lowered;
	s2 =	sadd.s32 s2, s4;
	[dreg:$0x0] =	wrdreg $0x0  }
0xa8: {  	s4 =	sshll.u32 s28, $0x1;
	[dreg:$0x2] =	wrdreg s2  }
0xa9: {  	[dreg:$0x3] =	wrdreg s4  }
0xaa: {  	[dreg:$0x4] =	wrdreg $0xC0  }
0xab: {  	_ =	task [dreg:s6], $0x5FFFF  }
0xac: {  	[dreg:$0x1] =	wrdreg $0xFFFFFFFF  }
0xad: {  	[dreg:$0x0] =	wrdreg $0x60  }
0xae: {  	[dreg:$0x2] =	wrdreg s24  }
0xaf: {  	[dreg:$0x3] =	wrdreg $0xC0000  }
0xb0: {  	[dreg:$0x4] =	wrdreg $0x9  }
0xb1: {  	_ =	task.clear_ibuf [dreg:s6], $0x5FFFF;
	_ =	strace $0x90000046  }
0xb2: {  	s29 =	simm.s32 $0x9;
	_ =	strace $0x80000048  }
0xb3: {  	_ =	swait.ge [sflag:s29], $0x1  }
0xb4: {  	[sflag:s29] =	ssyncadd.s32 $0xFFFFFFFF  }
0xb5: {  	_ =	strace $0x90000048  }
0xb6: {  	_ =	sfence  }
0xb7: {  	s30 =	sld [smem:$0x0];
	_ =	sdelay $0x2  }
0xb8: {  	s31 =	sshll.u32 s1, $0xD;
	s1 =	sshrl.u32 s1, $0x2  }
0xb9: {  	s3 =	sand.u32 $0x4000, s31;
	s1 =	sadd.s32 s1, s30  }
0xba: {  	s0 =	sor.u32 s3, s0;
	s1 =	sshll.u32 s1, $0x11  }
0xbb: {  	s0 =	sor.u32 s1, s0  }
0xbc: {  	s0 =	sadd.s32 $0x8F2B, s0  }
0xbd: {  	[sflag:s0] =	ssyncadd.remote.s32 $0x1  }
0xbe: {  	_ =	sfence.sel $0xFFFF  }
0xbf: {  	[dreg:$0x0] =	wrdreg $0xFFFFFFFF;
	(pc) =	sbr.abs _section_cstart, $3  }
0xc0: {  	[dreg:$0x1] =	wrdreg $0xFFFFFFFF  }
0xc1: {  	_ =	task.clear_ibuf [dreg:s6], $0x2FFFF;
	_ =	strace $0x9FFFFFFF  }
0xc2: {  	(tm) =	ssettm $0x7FFFFFFF  }
0xc3: {  	_ =	shalt  }
tec
execute0_lowered:
.L_overlay_start_1:
0x0: {  	(tag) =	ssettag $0x1  }
0x1: {  	s0 =	rddreg [dreg:$0x0]  }
0x2: {  	s1 =	rddreg [dreg:$0x1]  }
0x3: {  	s3 =	simm.s32 $0x0;
	s2 =	srdreg.scid;
	s7 =	stileid.u32  }
0x4: {  	s18 =	simm.s32 $0x6;
	s20 =	simm.s32 $0x800;
	s29 =	simm.s32 $0x9800  }
0x5: {  	s30 =	simm.s32 $0x2;
	s31 =	simm.s32 $0xB000;
	s28 =	simm.s32 $0xB800  }
0x6: {  	s19 =	simm.s32 $0x5;
	[smem:$0x7FF] =	sst s3;
	s2 =	sand.u32 $0x1, s2  }
0x7: {  	s4 =	sshll.u32 s7, $0xC;
	s22 =	sshll.u32 s7, $0xF;
	s24 =	sshll.u32 s7, $0x6  }
0x8: {  	_ =	strace $0x80000047;
	s5 =	sshll.u32 s2, $0xB;
	s2 =	ssub.s32 $0x2, s2  }
0x9: {  	s6 =	sadd.s32 s4, s0;
	s4 =	sor.u32 s5, s4;
	s21 =	sshrl.u32 s2, $0x1  }
0xa: {  	s23 =	sadd.s32 $0x2800, s6;
	s5 =	sor.u32 $0x1C06, s24;
	s24 =	simm.s32 $0xA800  }
0xb: {  	s0 =	sadd.s32 s4, s0;
	s2 =	ssub.s32 s2, s21;
	[dreg:$0x3] =	wrdreg s23  }
0xc: {  	s4 =	sadd.s32 s22, s1;
	[dreg:$0x4] =	wrdreg s5;
	s21 =	simm.s32 $0x8000  }
0xd: {  	s22 =	simm.s32 $0x8800;
	s23 =	simm.s32 $0x4;
	s25 =	sadd.s32 $0x72800, s0  }
0xe: {  	s26 =	sadd.s32 $0x82800, s0;
	s8 =	sadd.s32 $0x92800, s0;
	s9 =	sadd.s32 $0x92900, s0  }
0xf: {  	s10 =	sadd.s32 $0x92A00, s0;
	s11 =	sadd.s32 $0x92B00, s0;
	s12 =	sadd.s32 $0x92C00, s0  }
0x10: {  	s13 =	sadd.s32 $0x92D00, s0;
	s14 =	sadd.s32 $0x92E00, s0;
	s15 =	sadd.s32 $0x92F00, s0  }
0x11: {  	s16 =	smax.u32 s2, $0x1;
	s17 =	sshrl.u32 s4, $0x3;
	s0 =	simm.s32 $0xA000  }
0x12: {  	s2 =	simm.s32 $0x3;
	s4 =	simm.s32 $0x0;
	[dreg:$0x5] =	wrdreg s25  }
0x13: {  	[dreg:$0x6] =	wrdreg s26;
	s25 =	simm.s32 $0x9000;
	s26 =	simm.s32 $0x1  }
.LBB2_1:
0x14: {  	s5 =	rddreg [dreg:$0x3]  }
0x15: {  	s6 =	rddreg [dreg:$0x4]  }
0x16: {  	[spmem:s17], [sflag:s6] =	dma.local [hbm:s5], $0x1000  }
0x17: {  	_ =	swait.ge [sflag:s18], $0x1000  }
0x18: {  	[sflag:s18] =	ssyncset.done $0x0  }
0x19: {  	s7 =	rddreg [dreg:$0x5];
	[sflag:s18] =	ssyncadd.s32 $0xFFFFF000  }
0x1a: {  	[tilespmem:s3], [sflag:$0x6] =	stream.linear.gather [hbm4b:s7+s3], $0x4000, $0x38;
	[tilespmem:$0x14000] =	vst v63  }
0x1b: {  	_ =	swait.ge [sflag:s18], $0x4000  }
0x1c: {  	[sflag:s18] =	ssyncset.done $0x0  }
0x1d: {  	s7 =	simm.s32 $0x4000;
	s6 =	rddreg [dreg:$0x6];
	[sflag:s18] =	ssyncadd.s32 $0xFFFFC000  }
0x1e: {  	[tilespmem:s7], [sflag:$0x4] =	stream.linear.gather [hbm4b:s6+s3], $0x4000, $0x38;
	[tilespmem:$0x14000] =	vst v63  }
0x1f: {  	[bflag:$0x0] =	sbarrier.arrive $0xFFFF  }
0x20: {  	[tilespmem:s21], [sflag:$0x1] =	stream.indirect.gather [spmem:s1], $0x1, s3, s20, $0xb8;
	[tilespmem:$0x14000] =	vst v63  }
0x21: {  	_ = 	snop  }
0x22: {  	[tilespmem:s22], [sflag:$0x2] =	stream.indirect.gather [spmem:s1], $0x1, s20, s20, $0xb8;
	[tilespmem:$0x14000] =	vst v63  }
0x23: {  	_ =	swait.ge [sflag:s23], $0x4000  }
0x24: {  	[sflag:s23] =	ssyncset.done $0x0  }
0x25: {  	s7 =	simm.s32 $0x1000;
	[sflag:s23] =	ssyncadd.s32 $0xFFFFC000  }
0x26: {  	[tilespmem:s25], [sflag:$0x3] =	stream.indirect.gather [spmem:s1], $0x1, s7, s20, $0xb8;
	[tilespmem:$0x14000] =	vst v63  }
0x27: {  	_ =	swait.ge [sflag:s26], $0x800  }
0x28: {  	[sflag:s26] =	ssyncset.done $0x0  }
0x29: {  	s5 =	simm.s32 $0x0;
	[sflag:s26] =	ssyncadd.s32 $0xFFFFF800  }
0x2a: {  	s6 =	simm.s32 $0x40;
	v0 =	vld [tilespmem:s5+$0x4000]  }
.LBB2_2:
0x2b: {  	p0 =	sne.s32 s6, $0x1FC0;
	v1 =	vld [tilespmem:s5+$0x8000];
	_ =	sdelay $0x1  }
.Ltmp0:
0x2c: {  	(pc) =	sbr.rel @p0 .LBB2_2-.Ltmp0, $3  }
0x2d: {  	_ =	sdelay $0x1  }
0x2e: {  	s7 =	sshra.s32 s6, $0x2;
	v1 =	vand.u32 v1, v0  }
0x2f: {  	s6 =	sadd.s32 $0x40, s6;
	v0 =	vld [tilespmem:s7+$0x4000];
	[tilespmem:s5+$0x8000] =	vst v1;
	s5 =	smov.u32 s7  }
0x30: {  	v1 =	vld [tilespmem:s5+$0x8000];
	_ =	sdelay $0x4  }
0x31: {  	v0 =	vand.u32 v1, v0  }
0x32: {  	s6 =	simm.s32 $0x0;
	[tilespmem:s5+$0x8000] =	vst v0  }
0x33: {  	[hbm4b:s8+s6] =	stream.linear.scatter [tilespmem:s21], [sflag:$0x5], $0x800, $0x38;
	[tilespmem:$0x14000] =	vst v63  }
0x34: {  	s7 =	simm.s32 $0x1800  }
0x35: {  	[tilespmem:s29], [sflag:$0x1] =	stream.indirect.gather [spmem:s1], $0x1, s7, s20, $0xb8;
	[tilespmem:$0x14000] =	vst v63  }
0x36: {  	_ =	swait.ge [sflag:s30], $0x800  }
0x37: {  	[sflag:s30] =	ssyncset.done $0x0  }
0x38: {  	s5 =	simm.s32 $0x0;
	[sflag:s30] =	ssyncadd.s32 $0xFFFFF800  }
0x39: {  	s6 =	simm.s32 $0x40;
	v0 =	vld [tilespmem:s5+$0x4800]  }
.LBB2_4:
0x3a: {  	p0 =	sne.s32 s6, $0x1FC0;
	v1 =	vld [tilespmem:s5+$0x8800];
	_ =	sdelay $0x1  }
.Ltmp1:
0x3b: {  	(pc) =	sbr.rel @p0 .LBB2_4-.Ltmp1, $3  }
0x3c: {  	_ =	sdelay $0x1  }
0x3d: {  	s7 =	sshra.s32 s6, $0x2;
	v1 =	vand.u32 v1, v0  }
0x3e: {  	s6 =	sadd.s32 $0x40, s6;
	v0 =	vld [tilespmem:s7+$0x4800];
	[tilespmem:s5+$0x8800] =	vst v1;
	s5 =	smov.u32 s7  }
0x3f: {  	v1 =	vld [tilespmem:s5+$0x8800];
	_ =	sdelay $0x4  }
0x40: {  	v0 =	vand.u32 v1, v0  }
0x41: {  	s6 =	simm.s32 $0x0;
	[tilespmem:s5+$0x8800] =	vst v0  }
0x42: {  	[hbm4b:s9+s6] =	stream.linear.scatter [tilespmem:s22], [sflag:$0x5], $0x800, $0x38;
	[tilespmem:$0x14000] =	vst v63  }
0x43: {  	s7 =	simm.s32 $0x2000  }
0x44: {  	[tilespmem:s0], [sflag:$0x2] =	stream.indirect.gather [spmem:s1], $0x1, s7, s20, $0xb8;
	[tilespmem:$0x14000] =	vst v63  }
0x45: {  	_ =	swait.ge [sflag:s2], $0x800  }
0x46: {  	[sflag:s2] =	ssyncset.done $0x0  }
0x47: {  	s5 =	simm.s32 $0x0;
	[sflag:s2] =	ssyncadd.s32 $0xFFFFF800  }
0x48: {  	s6 =	simm.s32 $0x40;
	v0 =	vld [tilespmem:s5+$0x5000]  }
.LBB2_6:
0x49: {  	p0 =	sne.s32 s6, $0x1FC0;
	v1 =	vld [tilespmem:s5+$0x9000];
	_ =	sdelay $0x1  }
.Ltmp2:
0x4a: {  	(pc) =	sbr.rel @p0 .LBB2_6-.Ltmp2, $3  }
0x4b: {  	_ =	sdelay $0x1  }
0x4c: {  	s7 =	sshra.s32 s6, $0x2;
	v1 =	vand.u32 v1, v0  }
0x4d: {  	s6 =	sadd.s32 $0x40, s6;
	v0 =	vld [tilespmem:s7+$0x5000];
	[tilespmem:s5+$0x9000] =	vst v1;
	s5 =	smov.u32 s7  }
0x4e: {  	v1 =	vld [tilespmem:s5+$0x9000];
	_ =	sdelay $0x4  }
0x4f: {  	v0 =	vand.u32 v1, v0  }
0x50: {  	s6 =	simm.s32 $0x0;
	[tilespmem:s5+$0x9000] =	vst v0  }
0x51: {  	[hbm4b:s10+s6] =	stream.linear.scatter [tilespmem:s25], [sflag:$0x5], $0x800, $0x38;
	[tilespmem:$0x14000] =	vst v63  }
0x52: {  	s7 =	simm.s32 $0x2800  }
0x53: {  	[tilespmem:s24], [sflag:$0x3] =	stream.indirect.gather [spmem:s1], $0x1, s7, s20, $0xb8;
	[tilespmem:$0x14000] =	vst v63  }
0x54: {  	_ =	swait.ge [sflag:s26], $0x800  }
0x55: {  	[sflag:s26] =	ssyncset.done $0x0  }
0x56: {  	s5 =	simm.s32 $0x0;
	[sflag:s26] =	ssyncadd.s32 $0xFFFFF800  }
0x57: {  	s6 =	simm.s32 $0x40;
	v0 =	vld [tilespmem:s5+$0x5800]  }
.LBB2_8:
0x58: {  	p0 =	sne.s32 s6, $0x1FC0;
	v1 =	vld [tilespmem:s5+$0x9800];
	_ =	sdelay $0x1  }
.Ltmp3:
0x59: {  	(pc) =	sbr.rel @p0 .LBB2_8-.Ltmp3, $3  }
0x5a: {  	_ =	sdelay $0x1  }
0x5b: {  	s7 =	sshra.s32 s6, $0x2;
	v1 =	vand.u32 v1, v0  }
0x5c: {  	s6 =	sadd.s32 $0x40, s6;
	v0 =	vld [tilespmem:s7+$0x5800];
	[tilespmem:s5+$0x9800] =	vst v1;
	s5 =	smov.u32 s7  }
0x5d: {  	v1 =	vld [tilespmem:s5+$0x9800];
	_ =	sdelay $0x4  }
0x5e: {  	v0 =	vand.u32 v1, v0  }
0x5f: {  	s6 =	simm.s32 $0x0;
	[tilespmem:s5+$0x9800] =	vst v0  }
0x60: {  	[hbm4b:s11+s6] =	stream.linear.scatter [tilespmem:s29], [sflag:$0x5], $0x800, $0x38;
	[tilespmem:$0x14000] =	vst v63  }
0x61: {  	s7 =	simm.s32 $0x3000  }
0x62: {  	[tilespmem:s31], [sflag:$0x1] =	stream.indirect.gather [spmem:s1], $0x1, s7, s20, $0xb8;
	[tilespmem:$0x14000] =	vst v63  }
0x63: {  	_ =	swait.ge [sflag:s30], $0x800  }
0x64: {  	[sflag:s30] =	ssyncset.done $0x0  }
0x65: {  	s5 =	simm.s32 $0x0;
	[sflag:s30] =	ssyncadd.s32 $0xFFFFF800  }
0x66: {  	s6 =	simm.s32 $0x40;
	v0 =	vld [tilespmem:s5+$0x6000]  }
.LBB2_10:
0x67: {  	p0 =	sne.s32 s6, $0x1FC0;
	v1 =	vld [tilespmem:s5+$0xA000];
	_ =	sdelay $0x1  }
.Ltmp4:
0x68: {  	(pc) =	sbr.rel @p0 .LBB2_10-.Ltmp4, $3  }
0x69: {  	_ =	sdelay $0x1  }
0x6a: {  	s7 =	sshra.s32 s6, $0x2;
	v1 =	vand.u32 v1, v0  }
0x6b: {  	s6 =	sadd.s32 $0x40, s6;
	v0 =	vld [tilespmem:s7+$0x6000];
	[tilespmem:s5+$0xA000] =	vst v1;
	s5 =	smov.u32 s7  }
0x6c: {  	v1 =	vld [tilespmem:s5+$0xA000];
	_ =	sdelay $0x4  }
0x6d: {  	v0 =	vand.u32 v1, v0  }
0x6e: {  	s6 =	simm.s32 $0x0;
	[tilespmem:s5+$0xA000] =	vst v0  }
0x6f: {  	[hbm4b:s12+s6] =	stream.linear.scatter [tilespmem:s0], [sflag:$0x5], $0x800, $0x38;
	[tilespmem:$0x14000] =	vst v63  }
0x70: {  	s7 =	simm.s32 $0x3800  }
0x71: {  	[tilespmem:s28], [sflag:$0x2] =	stream.indirect.gather [spmem:s1], $0x1, s7, s20, $0xb8;
	[tilespmem:$0x14000] =	vst v63  }
0x72: {  	_ =	swait.ge [sflag:s2], $0x800  }
0x73: {  	[sflag:s2] =	ssyncset.done $0x0  }
0x74: {  	s5 =	simm.s32 $0x0;
	[sflag:s2] =	ssyncadd.s32 $0xFFFFF800  }
0x75: {  	s6 =	simm.s32 $0x40;
	v0 =	vld [tilespmem:s5+$0x6800]  }
.LBB2_12:
0x76: {  	p0 =	sne.s32 s6, $0x1FC0;
	v1 =	vld [tilespmem:s5+$0xA800];
	_ =	sdelay $0x1  }
.Ltmp5:
0x77: {  	(pc) =	sbr.rel @p0 .LBB2_12-.Ltmp5, $3  }
0x78: {  	_ =	sdelay $0x1  }
0x79: {  	s7 =	sshra.s32 s6, $0x2;
	v1 =	vand.u32 v1, v0  }
0x7a: {  	s6 =	sadd.s32 $0x40, s6;
	v0 =	vld [tilespmem:s7+$0x6800];
	[tilespmem:s5+$0xA800] =	vst v1;
	s5 =	smov.u32 s7  }
0x7b: {  	v1 =	vld [tilespmem:s5+$0xA800];
	_ =	sdelay $0x4  }
0x7c: {  	v0 =	vand.u32 v1, v0  }
0x7d: {  	s7 =	simm.s32 $0x0;
	[tilespmem:s5+$0xA800] =	vst v0  }
0x7e: {  	[hbm4b:s13+s7] =	stream.linear.scatter [tilespmem:s24], [sflag:$0x5], $0x800, $0x38;
	[tilespmem:$0x14000] =	vst v63  }
0x7f: {  	_ =	swait.ge [sflag:s26], $0x800  }
0x80: {  	[sflag:s26] =	ssyncset.done $0x0  }
0x81: {  	s5 =	simm.s32 $0x0;
	[sflag:s26] =	ssyncadd.s32 $0xFFFFF800  }
0x82: {  	s6 =	simm.s32 $0x40;
	v0 =	vld [tilespmem:s5+$0x7000]  }
.LBB2_14:
0x83: {  	p0 =	sne.s32 s6, $0x1FC0;
	v1 =	vld [tilespmem:s5+$0xB000];
	_ =	sdelay $0x1  }
.Ltmp6:
0x84: {  	(pc) =	sbr.rel @p0 .LBB2_14-.Ltmp6, $3  }
0x85: {  	_ =	sdelay $0x1  }
0x86: {  	s7 =	sshra.s32 s6, $0x2;
	v1 =	vand.u32 v1, v0  }
0x87: {  	s6 =	sadd.s32 $0x40, s6;
	v0 =	vld [tilespmem:s7+$0x7000];
	[tilespmem:s5+$0xB000] =	vst v1;
	s5 =	smov.u32 s7  }
0x88: {  	v1 =	vld [tilespmem:s5+$0xB000];
	_ =	sdelay $0x4  }
0x89: {  	v0 =	vand.u32 v1, v0  }
0x8a: {  	s7 =	simm.s32 $0x0;
	[tilespmem:s5+$0xB000] =	vst v0  }
0x8b: {  	[hbm4b:s14+s7] =	stream.linear.scatter [tilespmem:s31], [sflag:$0x5], $0x800, $0x38;
	[tilespmem:$0x14000] =	vst v63  }
0x8c: {  	_ =	swait.ge [sflag:s30], $0x800  }
0x8d: {  	[sflag:s30] =	ssyncset.done $0x0  }
0x8e: {  	s5 =	simm.s32 $0x0;
	[sflag:s30] =	ssyncadd.s32 $0xFFFFF800  }
0x8f: {  	s6 =	simm.s32 $0x40;
	v0 =	vld [tilespmem:s5+$0x7800]  }
.LBB2_16:
0x90: {  	p0 =	sne.s32 s6, $0x1FC0;
	v1 =	vld [tilespmem:s5+$0xB800];
	_ =	sdelay $0x1  }
.Ltmp7:
0x91: {  	(pc) =	sbr.rel @p0 .LBB2_16-.Ltmp7, $3  }
0x92: {  	_ =	sdelay $0x1  }
0x93: {  	s7 =	sshra.s32 s6, $0x2;
	v1 =	vand.u32 v1, v0  }
0x94: {  	s6 =	sadd.s32 $0x40, s6;
	v0 =	vld [tilespmem:s7+$0x7800];
	[tilespmem:s5+$0xB800] =	vst v1;
	s5 =	smov.u32 s7  }
0x95: {  	v1 =	vld [tilespmem:s5+$0xB800];
	_ =	sdelay $0x4  }
0x96: {  	v0 =	vand.u32 v1, v0  }
0x97: {  	[tilespmem:s5+$0xB800] =	vst v0  }
0x98: {  	[hbm4b:s15+s3] =	stream.linear.scatter [tilespmem:s28], [sflag:$0x5], $0x800, $0x38;
	[tilespmem:$0x14000] =	vst v63  }
0x99: {  	_ =	swait.ge [sflag:s19], $0x800  }
0x9a: {  	[sflag:s19] =	ssyncset.done $0x0  }
0x9b: {  	[sflag:s19] =	ssyncadd.s32 $0xFFFFF800  }
0x9c: {  	_ =	swait.ge [sflag:s19], $0x800  }
0x9d: {  	[sflag:s19] =	ssyncset.done $0x0  }
0x9e: {  	[sflag:s19] =	ssyncadd.s32 $0xFFFFF800  }
0x9f: {  	_ =	swait.ge [sflag:s19], $0x800  }
0xa0: {  	[sflag:s19] =	ssyncset.done $0x0  }
0xa1: {  	[sflag:s19] =	ssyncadd.s32 $0xFFFFF800  }
0xa2: {  	_ =	swait.ge [sflag:s19], $0x800  }
0xa3: {  	[sflag:s19] =	ssyncset.done $0x0  }
0xa4: {  	[sflag:s19] =	ssyncadd.s32 $0xFFFFF800  }
0xa5: {  	_ =	swait.ge [sflag:s19], $0x800  }
0xa6: {  	[sflag:s19] =	ssyncset.done $0x0  }
0xa7: {  	[sflag:s19] =	ssyncadd.s32 $0xFFFFF800  }
0xa8: {  	_ =	swait.ge [sflag:s19], $0x800  }
0xa9: {  	[sflag:s19] =	ssyncset.done $0x0  }
0xaa: {  	s4 =	sadd.s32 $0x1, s4;
	[sflag:s19] =	ssyncadd.s32 $0xFFFFF800  }
0xab: {  	p0 =	sne.s32 s4, s16;
	_ =	swait.ge [sflag:s19], $0x800  }
.Ltmp8:
0xac: {  	[sflag:s19] =	ssyncset.done $0x0;
	(pc) =	sbr.rel @p0 .LBB2_1-.Ltmp8, $4  }
0xad: {  	[sflag:s19] =	ssyncadd.s32 $0xFFFFF800  }
0xae: {  	_ =	swait.ge [sflag:s19], $0x800  }
0xaf: {  	[sflag:s19] =	ssyncset.done $0x0  }
0xb0: {  	[sflag:s19] =	ssyncadd.s32 $0xFFFFF800  }
0xb1: {  	_ =	sfence.sel $0x180000  }
0xb2: {  	[bflag:$0x0] =	sbarrier.arrive $0xFFFF  }
0xb3: {  	_ =	strace $0x90000047  }
0xb4: {  	s0 =	stileid.u32;
	[bflag:$0x2] =	sbarrier.arrive $0xFFFF  }
0xb5: {  	p0 =	sne.s32 s0, $0x0;
	s0 =	rddreg [dreg:$0x2]  }
0xb6: {  	s0 =	sadd.s32 @!p0 $0x100000, s0  }
0xb7: {  	[sflag:s0] =	ssyncadd.tile.s32 @!p0 $0x1;
	_ =	shalt  }
.Lfunc_end2:
_tile_overlayer_lowered:
.L_overlay_start_2:
0xb8: {  	(tag) =	ssettag $0x2  }
0xb9: {  	s0 =	rddreg [dreg:$0x0];
	s2 =	stileid.u32  }
0xba: {  	s1 =	rddreg [dreg:$0x1];
	p0 =	sne.s32 s2, $0x0  }
0xbb: {  	s3 =	rddreg [dreg:$0x2];
	[bflag:$0x3] =	sbarrier.arrive $0xFFFF;
	s2 =	simm.s32 @!p0 $0x1C06  }
0xbc: {  	[timem:s3], [sflag:s2] =	dma.local @!p0 [hbm:s0], s1  }
0xbd: {  	s0 =	simm.s32 @!p0 $0x6  }
0xbe: {  	_ =	swait.ge @!p0 [sflag:s0], s1  }
0xbf: {  	s1 =	ssub.s32 @!p0 $0x0, s1;
	[sflag:s0] =	ssyncset.done @!p0 $0x0  }
0xc0: {  	[sflag:s0] =	ssyncadd.s32 @!p0 s1  }
0xc1: {  	[bflag:$0x3] =	sbarrier.arrive $0xFFFF  }
0xc2: {  	_ =	shalt  }

</sc_bundles>
